<compile_context>
chip_gen: v7x
topology: tpu7x:2x2x1
jax: 0.10.2.dev20260603
libtpu: 0.0.44.dev20260713+nightly
codegen_flags: <defaults>
</compile_context>

<pallas_src>
import functools

import jax
import jax.numpy as jnp
from jax import lax
from jax.experimental import pallas as pl
from jax.experimental.pallas import tpu as pltpu
from jax.experimental.pallas import tpu_sc as plsc

NE = 8
NDEPTH = 2
DM = 1024
BLK = 128
CHUNK = 512
NW = 32
SUB = 64


def _router_body(x_ref, w_ref, b_ref,
                 pmax_ref, pmaxrep_ref, counts_ref, psum_ref, dest_ref, te_ref,
                 eidx_s, rank_s):
    i = pl.program_id(0)
    nch = pl.num_programs(0) // 2

    @pl.when(i == 0)
    def _init():
        counts_ref[...] = jnp.zeros_like(counts_ref)
        psum_ref[...] = jnp.zeros_like(psum_ref)

    @pl.when(i < nch)
    def _phase1():
        logits = jnp.zeros((CHUNK, NE), jnp.float32)
        for k0 in range(0, DM, 256):
            logits = logits + lax.dot_general(
                x_ref[:, k0:k0 + 256], w_ref[:, k0:k0 + 256],
                (((1,), (1,)), ((), ())), preferred_element_type=jnp.float32)
        logits = logits + b_ref[...]

        m = jnp.max(logits, axis=1, keepdims=True)
        ex = jnp.exp(logits - m)
        s = jnp.sum(ex, axis=1, keepdims=True)
        prob = ex / s
        pmax = jnp.max(prob, axis=1)

        iota_e = lax.broadcasted_iota(jnp.int32, (CHUNK, NE), 1)
        is_max = logits == m
        eidx = jnp.min(jnp.where(is_max, iota_e, NE), axis=1).astype(jnp.int32)

        onehot = (eidx[:, None] == iota_e).astype(jnp.float32)

        r = lax.broadcasted_iota(jnp.int32, (CHUNK, CHUNK), 0)
        c = lax.broadcasted_iota(jnp.int32, (CHUNK, CHUNK), 1)
        tril = (c < r).astype(jnp.float32)
        excl = lax.dot_general(tril, onehot, (((1,), (0,)), ((), ())))

        running = counts_ref[...]
        rank = jnp.sum(onehot * (running + excl), axis=1).astype(jnp.int32)

        pmax_ref[...] = pmax.reshape(1, 1, CHUNK)
        pmaxrep_ref[...] = jnp.broadcast_to(pmax[:, None], (CHUNK, 128))
        eidx_s[pl.ds(i, 1)] = eidx.reshape(1, 1, CHUNK)
        rank_s[pl.ds(i, 1)] = rank.reshape(1, 1, CHUNK)
        counts_ref[...] = running + jnp.sum(onehot, axis=0)[None, :]
        psum_ref[...] = psum_ref[...] + jnp.sum(prob, axis=0)[None, :]

    @pl.when(i >= nch)
    def _phase2():
        j = i - nch
        e2 = eidx_s[j, 0]
        rank2 = rank_s[j, 0]
        cvec = counts_ref[...]
        padded = jnp.ceil(cvec / BLK) * BLK
        r8 = lax.broadcasted_iota(jnp.int32, (NE, NE), 0)
        c8 = lax.broadcasted_iota(jnp.int32, (NE, NE), 1)
        triu = (r8 < c8).astype(jnp.float32)
        pad_off = lax.dot_general(padded, triu, (((1,), (0,)), ((), ())))
        ioE = lax.broadcasted_iota(jnp.int32, (NE, CHUNK), 0)
        oh = (ioE == e2).astype(jnp.float32)
        sel = lax.dot_general(pad_off, oh, (((1,), (0,)), ((), ())))
        dest_ref[...] = (rank2 + sel.astype(jnp.int32)).reshape(1, 1, CHUNK)

    @pl.when(i == nch)
    def _tile_table():
        cvec = counts_ref[...]
        padded = jnp.ceil(cvec / BLK) * BLK
        ptiles = padded / BLK
        r8 = lax.broadcasted_iota(jnp.int32, (NE, NE), 0)
        c8 = lax.broadcasted_iota(jnp.int32, (NE, NE), 1)
        triu_i = (r8 <= c8).astype(jnp.float32)
        cum = lax.dot_general(ptiles, triu_i, (((1,), (0,)), ((), ())))
        cum_t = jnp.transpose(cum)
        iot = lax.broadcasted_iota(jnp.int32, (1, 128), 1).astype(jnp.float32)
        ge = (iot >= cum_t).astype(jnp.int32)
        e_i = jnp.minimum(jnp.sum(ge, axis=0, keepdims=True), NE - 1)
        totrows = jnp.sum(padded, axis=1, keepdims=True).astype(jnp.int32)
        te_ref[...] = jnp.where(iot < 64, e_i, totrows)


def _router_call(xf, Wsw, bsw2):
    t = xf.shape[0]
    nchunk = t // CHUNK
    last = nchunk - 1
    return pl.pallas_call(
        _router_body,
        grid=(2 * nchunk,),
        in_specs=[
            pl.BlockSpec((CHUNK, DM), lambda i: (jnp.minimum(i, last), 0)),
            pl.BlockSpec((NE, DM), lambda i: (0, 0)),
            pl.BlockSpec((1, NE), lambda i: (0, 0)),
        ],
        out_specs=[
            pl.BlockSpec((1, 1, CHUNK), lambda i: (jnp.minimum(i, last), 0, 0)),
            pl.BlockSpec((CHUNK, 128), lambda i: (jnp.minimum(i, last), 0)),
            pl.BlockSpec((1, NE), lambda i: (0, 0)),
            pl.BlockSpec((1, NE), lambda i: (0, 0)),
            pl.BlockSpec((1, 1, CHUNK),
                         lambda i: (jnp.maximum(i - (last + 1), 0), 0, 0)),
            pl.BlockSpec((1, 128), lambda i: (0, 0)),
        ],
        out_shape=[
            jax.ShapeDtypeStruct((nchunk, 1, CHUNK), jnp.float32),
            jax.ShapeDtypeStruct((t, 128), jnp.float32),
            jax.ShapeDtypeStruct((1, NE), jnp.float32),
            jax.ShapeDtypeStruct((1, NE), jnp.float32),
            jax.ShapeDtypeStruct((nchunk, 1, CHUNK), jnp.int32),
            jax.ShapeDtypeStruct((1, 128), jnp.int32),
        ],
        scratch_shapes=[
            pltpu.VMEM((nchunk, 1, CHUNK), jnp.int32),
            pltpu.VMEM((nchunk, 1, CHUNK), jnp.int32),
        ],
    )(xf, Wsw, bsw2)


def _sc_dispatch_call(xf, pmax_rep, dest):
    t = xf.shape[0]
    p = (t // BLK + NE) * BLK
    rpw = t // NW
    nch = rpw // SUB
    mesh = plsc.VectorSubcoreMesh(core_axis_name="c", subcore_axis_name="s")

    @functools.partial(
        pl.kernel, mesh=mesh,
        out_type=(jax.ShapeDtypeStruct((p, DM), jnp.float32),
                  jax.ShapeDtypeStruct((p, 128), jnp.float32)),
        scratch_types=[pltpu.VMEM((SUB,), jnp.int32),
                       pltpu.VMEM((SUB, DM), jnp.float32),
                       pltpu.VMEM((SUB, 128), jnp.float32),
                       pltpu.SemaphoreType.DMA],
    )
    def body(xf_hbm, pr_hbm, dest_hbm, xg_hbm, pg_hbm, idx_v, rows_v, prv_v, sem):
        wid = lax.axis_index("s") * 2 + lax.axis_index("c")
        for ch in range(nch):
            base = wid * rpw + ch * SUB
            pltpu.sync_copy(dest_hbm.at[pl.ds(base, SUB)], idx_v)
            pltpu.sync_copy(xf_hbm.at[pl.ds(base, SUB)], rows_v)
            pltpu.sync_copy(pr_hbm.at[pl.ds(base, SUB)], prv_v)
            pltpu.async_copy(rows_v, xg_hbm.at[idx_v], sem).wait()
            pltpu.async_copy(prv_v, pg_hbm.at[idx_v], sem).wait()

    return body(xf, pmax_rep, dest)


def _expert_body(te_ref, tot_ref, xg_ref, w0_ref, w1_ref, b0_ref, b1_ref,
                 pg_ref, yg_ref):
    i = pl.program_id(0)

    @pl.when(i * BLK < tot_ref[0])
    def _compute():
        ht = jnp.transpose(xg_ref[...])
        ws = (w0_ref, w1_ref)
        bs = (b0_ref, b1_ref)
        for l in range(NDEPTH):
            w = ws[l][0]
            bt = jnp.transpose(bs[l][0])
            ht = lax.dot_general(w, ht, (((1,), (0,)), ((), ())),
                                 preferred_element_type=jnp.float32) + bt
        pgrow = jnp.transpose(pg_ref[:, 0:1])
        yg_ref[...] = jnp.transpose(ht * pgrow)


def _expert_call(te_arr, tot_arr, xg, We2, be2, pg):
    p = xg.shape[0]
    nt = p // BLK
    grid_spec = pltpu.PrefetchScalarGridSpec(
        num_scalar_prefetch=2,
        grid=(nt,),
        in_specs=[
            pl.BlockSpec((BLK, DM), lambda i, te, tt: (i, 0)),
            pl.BlockSpec((1, DM, DM),
                         lambda i, te, tt: (te[i] * NDEPTH, 0, 0)),
            pl.BlockSpec((1, DM, DM),
                         lambda i, te, tt: (te[i] * NDEPTH + 1, 0, 0)),
            pl.BlockSpec((1, 1, DM),
                         lambda i, te, tt: (te[i] * NDEPTH, 0, 0)),
            pl.BlockSpec((1, 1, DM),
                         lambda i, te, tt: (te[i] * NDEPTH + 1, 0, 0)),
            pl.BlockSpec((BLK, 128), lambda i, te, tt: (i, 0)),
        ],
        out_specs=pl.BlockSpec((BLK, DM), lambda i, te, tt: (i, 0)),
    )
    return pl.pallas_call(
        _expert_body,
        grid_spec=grid_spec,
        out_shape=jax.ShapeDtypeStruct((p, DM), jnp.float32),
    )(te_arr, tot_arr, xg, We2, We2, be2, be2, pg)


def _sc_gather_call(yg, dest):
    t = dest.shape[0]
    rpw = t // NW
    nch = rpw // SUB
    mesh = plsc.VectorSubcoreMesh(core_axis_name="c", subcore_axis_name="s")

    @functools.partial(
        pl.kernel, mesh=mesh,
        out_type=jax.ShapeDtypeStruct((t, DM), jnp.float32),
        scratch_types=[pltpu.VMEM((SUB,), jnp.int32),
                       pltpu.VMEM((SUB, DM), jnp.float32),
                       pltpu.SemaphoreType.DMA],
    )
    def body(yg_hbm, dest_hbm, out_hbm, idx_v, rows_v, sem):
        wid = lax.axis_index("s") * 2 + lax.axis_index("c")
        for ch in range(nch):
            base = wid * rpw + ch * SUB
            pltpu.sync_copy(dest_hbm.at[pl.ds(base, SUB)], idx_v)
            pltpu.async_copy(yg_hbm.at[idx_v], rows_v, sem).wait()
            pltpu.sync_copy(rows_v, out_hbm.at[pl.ds(base, SUB)])

    return body(yg, dest)


def kernel(x, Wsw, bsw, We, be):
    s, bb, dm = x.shape
    xf = x.reshape(-1, dm)
    t = xf.shape[0]

    pmax3, pmax_rep, counts2, psum2, dest3, te_out = _router_call(
        xf, Wsw, bsw.reshape(1, NE))
    dest = dest3.reshape(t)
    pmax = pmax3.reshape(t)

    xg, pg = _sc_dispatch_call(xf, pmax_rep, dest)
    te_flat = te_out.reshape(128)
    We2 = We.reshape(NE * NDEPTH, DM, DM)
    be2 = be.reshape(NE * NDEPTH, 1, DM)
    yg = _expert_call(te_flat[:64], te_flat[64:65], xg, We2, be2, pg)
    outf = yg[:t]

    out = outf.reshape(s, bb, dm)
    return (out, counts2.reshape(NE), psum2.reshape(NE),
            jnp.array(0, dtype=jnp.int32), pmax)

# --- scband reference (transcript-rebuilt; emitter-appended) ---
"""Pipeline reference for scband-experts-36034775614075 (READ-ONLY COPY).

The authoritative reference and input builder live on the scoring server;
editing this copy changes nothing except your own understanding.
"""

import jax, jax.numpy as jnp
import numpy as np

N_EXPERTS = 8
DEPTH = 2
D = 1024
SEQ = 2048
B = 2


def setup_inputs(seed: int = 0) -> dict:
    key = jax.random.key(seed)
    ks = jax.random.split(key, 5)
    x = jax.random.normal(ks[0], (SEQ, B, D), dtype=jnp.float32)
    Wsw = jax.random.normal(ks[1], (N_EXPERTS, D), dtype=jnp.float32) * 0.02
    bsw = jnp.zeros((N_EXPERTS,), dtype=jnp.float32)
    We = jax.random.normal(ks[2], (N_EXPERTS, DEPTH, D, D), dtype=jnp.float32) * 0.02
    be = jnp.zeros((N_EXPERTS, DEPTH, D), dtype=jnp.float32)
    return {"x": x, "Wsw": Wsw, "bsw": bsw, "We": We, "be": be}


def reference(x, Wsw, bsw, We, be):
    S, Bb, Dm = x.shape
    xf = x.reshape(-1, Dm)
    T = xf.shape[0]
    # switch router: softmax(Linear(x))
    logits = xf @ Wsw.T + bsw
    route_prob = jax.nn.softmax(logits, axis=-1)
    route_prob_max = jnp.max(route_prob, axis=-1)
    route_idx = jnp.argmax(route_prob, axis=-1)
    counts = jnp.bincount(route_idx, length=N_EXPERTS).astype(jnp.float32)
    # apply every expert (stack of DEPTH linear layers) to all tokens, then
    # gather the routed expert's output per token (drop_tokens=False, so no
    # capacity dropping; result is mathematically identical to the torch code)
    h = jnp.broadcast_to(xf[None], (N_EXPERTS, T, Dm))
    for l in range(DEPTH):
        h = jnp.einsum('etd,efd->etf', h, We[:, l]) + be[:, l][:, None, :]
    out = h[route_idx, jnp.arange(T), :]
    # is_scale_prob=True: scale by max routing probability
    out = out * route_prob_max[:, None]
    out = out.reshape(S, Bb, Dm)
    n_dropped = jnp.array(0, dtype=jnp.int32)
    return (out, counts, route_prob.sum(0), n_dropped, route_prob_max)

if __name__ == "__main__":
    import jax
    _d = setup_inputs()
    print(jax.jit(kernel)(*tuple(_d.values())))

</pallas_src>

<mosaic_0001>
#map = affine_map<(d0, d1) -> (0, 0)>
#map1 = affine_map<(d0, d1) -> (0)>
module attributes {stable_mosaic.version = 14 : i64} {
  func.func @body(%arg0: i32, %arg1: i32, %arg2: memref<4096x1024xf32, #tpu.memory_space<hbm>>, %arg3: memref<4096x128xf32, #tpu.memory_space<hbm>>, %arg4: memref<4096xi32, #tpu.memory_space<hbm>>, %arg5: memref<5120x1024xf32, #tpu.memory_space<hbm>>, %arg6: memref<5120x128xf32, #tpu.memory_space<hbm>>, %arg7: memref<64xi32, #tpu.memory_space<vmem>>, %arg8: memref<64x1024xf32, #tpu.memory_space<vmem>>, %arg9: memref<64x128xf32, #tpu.memory_space<vmem>>, %arg10: memref<!tpu.dma_semaphore, #tpu.memory_space<semaphore_mem>>) attributes {dimension_semantics = [#tpu.dimension_semantics<core_parallel>, #tpu.dimension_semantics<subcore_parallel>], iteration_bounds = array<i64: 2, 16>, scalar_prefetch = 0 : i64, scratch_operands = 4 : i64, tpu.core_type = #tpu.core_type<sc_vector_subcore>, window_params = [{transform_indices = #map}, {transform_indices = #map}, {transform_indices = #map1}, {transform_indices = #map}, {transform_indices = #map}]} {
    %mul3A = arith.constant 2 : i32
    %mul3A_0 = arith.muli %arg1, %mul3A : i32
    %add3A = arith.addi %mul3A_0, %arg0 : i32
    %mul3A_1 = arith.constant 128 : i32
    %mul3A_2 = arith.muli %add3A, %mul3A_1 : i32
    %add3A_3 = arith.constant 0 : i32
    %add3A_4 = arith.addi %mul3A_2, %add3A_3 : i32
    "tpu.region"() ({
      %run_scoped3A = tpu.sem_alloc : memref<!tpu.dma_semaphore, #tpu.memory_space<semaphore_mem>>
      %dma_start3A_31 = tpu.memref_slice %arg4[%add3A_4] : memref<4096xi32, #tpu.memory_space<hbm>> -> memref<64xi32, #tpu.memory_space<hbm>>
      %dma_start3A_32 = tpu.memref_slice %arg4[%add3A_4] : memref<4096xi32, #tpu.memory_space<hbm>> -> memref<64xi32, #tpu.memory_space<hbm>>
      tpu.enqueue_dma source(%dma_start3A_32 : memref<64xi32, #tpu.memory_space<hbm>>) target(%arg7 : memref<64xi32, #tpu.memory_space<vmem>>) target_semaphore(%run_scoped3A : memref<!tpu.dma_semaphore, #tpu.memory_space<semaphore_mem>>)
      %dma_wait3A_33 = tpu.memref_slice %arg4[%add3A_4] : memref<4096xi32, #tpu.memory_space<hbm>> -> memref<64xi32, #tpu.memory_space<hbm>>
      %dma_wait3A_34 = tpu.memref_slice %arg4[%add3A_4] : memref<4096xi32, #tpu.memory_space<hbm>> -> memref<64xi32, #tpu.memory_space<hbm>>
      tpu.wait_dma2 semaphore(%run_scoped3A : memref<!tpu.dma_semaphore, #tpu.memory_space<semaphore_mem>>) src(%dma_wait3A_34 : memref<64xi32, #tpu.memory_space<hbm>>) dst(%arg7 : memref<64xi32, #tpu.memory_space<vmem>>)
      tpu.yield
    }) : () -> ()
    "tpu.region"() ({
      %run_scoped3A = tpu.sem_alloc : memref<!tpu.dma_semaphore, #tpu.memory_space<semaphore_mem>>
      %dma_start3A_31 = arith.constant 0 : i32
      %dma_start3A_32 = tpu.memref_slice %arg2[%add3A_4, %dma_start3A_31] : memref<4096x1024xf32, #tpu.memory_space<hbm>> -> memref<64x1024xf32, #tpu.memory_space<hbm>>
      %dma_start3A_33 = arith.constant 0 : i32
      %dma_start3A_34 = tpu.memref_slice %arg2[%add3A_4, %dma_start3A_33] : memref<4096x1024xf32, #tpu.memory_space<hbm>> -> memref<64x1024xf32, #tpu.memory_space<hbm>>
      tpu.enqueue_dma source(%dma_start3A_34 : memref<64x1024xf32, #tpu.memory_space<hbm>>) target(%arg8 : memref<64x1024xf32, #tpu.memory_space<vmem>>) target_semaphore(%run_scoped3A : memref<!tpu.dma_semaphore, #tpu.memory_space<semaphore_mem>>)
      %dma_wait3A_35 = arith.constant 0 : i32
      %dma_wait3A_36 = tpu.memref_slice %arg2[%add3A_4, %dma_wait3A_35] : memref<4096x1024xf32, #tpu.memory_space<hbm>> -> memref<64x1024xf32, #tpu.memory_space<hbm>>
      %dma_wait3A_37 = arith.constant 0 : i32
      %dma_wait3A_38 = tpu.memref_slice %arg2[%add3A_4, %dma_wait3A_37] : memref<4096x1024xf32, #tpu.memory_space<hbm>> -> memref<64x1024xf32, #tpu.memory_space<hbm>>
      tpu.wait_dma2 semaphore(%run_scoped3A : memref<!tpu.dma_semaphore, #tpu.memory_space<semaphore_mem>>) src(%dma_wait3A_38 : memref<64x1024xf32, #tpu.memory_space<hbm>>) dst(%arg8 : memref<64x1024xf32, #tpu.memory_space<vmem>>)
      tpu.yield
    }) : () -> ()
    "tpu.region"() ({
      %run_scoped3A = tpu.sem_alloc : memref<!tpu.dma_semaphore, #tpu.memory_space<semaphore_mem>>
      %dma_start3A_31 = arith.constant 0 : i32
      %dma_start3A_32 = tpu.memref_slice %arg3[%add3A_4, %dma_start3A_31] : memref<4096x128xf32, #tpu.memory_space<hbm>> -> memref<64x128xf32, #tpu.memory_space<hbm>>
      %dma_start3A_33 = arith.constant 0 : i32
      %dma_start3A_34 = tpu.memref_slice %arg3[%add3A_4, %dma_start3A_33] : memref<4096x128xf32, #tpu.memory_space<hbm>> -> memref<64x128xf32, #tpu.memory_space<hbm>>
      tpu.enqueue_dma source(%dma_start3A_34 : memref<64x128xf32, #tpu.memory_space<hbm>>) target(%arg9 : memref<64x128xf32, #tpu.memory_space<vmem>>) target_semaphore(%run_scoped3A : memref<!tpu.dma_semaphore, #tpu.memory_space<semaphore_mem>>)
      %dma_wait3A_35 = arith.constant 0 : i32
      %dma_wait3A_36 = tpu.memref_slice %arg3[%add3A_4, %dma_wait3A_35] : memref<4096x128xf32, #tpu.memory_space<hbm>> -> memref<64x128xf32, #tpu.memory_space<hbm>>
      %dma_wait3A_37 = arith.constant 0 : i32
      %dma_wait3A_38 = tpu.memref_slice %arg3[%add3A_4, %dma_wait3A_37] : memref<4096x128xf32, #tpu.memory_space<hbm>> -> memref<64x128xf32, #tpu.memory_space<hbm>>
      tpu.wait_dma2 semaphore(%run_scoped3A : memref<!tpu.dma_semaphore, #tpu.memory_space<semaphore_mem>>) src(%dma_wait3A_38 : memref<64x128xf32, #tpu.memory_space<hbm>>) dst(%arg9 : memref<64x128xf32, #tpu.memory_space<vmem>>)
      tpu.yield
    }) : () -> ()
    %dma_start3A = arith.constant 0 : i32
    %dma_start3A_5 = arith.constant 0 : i32
    %dma_start3A_6 = tpu.memref_slice %arg5[%dma_start3A, %dma_start3A_5] : memref<5120x1024xf32, #tpu.memory_space<hbm>> -> memref<5120x1024xf32, #tpu.memory_space<hbm>>
    tpu.enqueue_indirect_dma source(%arg8 : memref<64x1024xf32, #tpu.memory_space<vmem>>) target(%dma_start3A_6 : memref<5120x1024xf32, #tpu.memory_space<hbm>>) offsets(%arg7 : memref<64xi32, #tpu.memory_space<vmem>>) semaphore(%arg10 : memref<!tpu.dma_semaphore, #tpu.memory_space<semaphore_mem>>)
    %dma_wait3A = arith.constant 0 : i32
    %dma_wait3A_7 = arith.constant 0 : i32
    %dma_wait3A_8 = tpu.memref_slice %arg5[%dma_wait3A, %dma_wait3A_7] : memref<5120x1024xf32, #tpu.memory_space<hbm>> -> memref<5120x1024xf32, #tpu.memory_space<hbm>>
    tpu.wait_indirect_dma semaphore(%arg10 : memref<!tpu.dma_semaphore, #tpu.memory_space<semaphore_mem>>) src(%arg8 : memref<64x1024xf32, #tpu.memory_space<vmem>>) dst(%dma_wait3A_8 : memref<5120x1024xf32, #tpu.memory_space<hbm>>)
    %dma_start3A_9 = arith.constant 0 : i32
    %dma_start3A_10 = arith.constant 0 : i32
    %dma_start3A_11 = tpu.memref_slice %arg6[%dma_start3A_9, %dma_start3A_10] : memref<5120x128xf32, #tpu.memory_space<hbm>> -> memref<5120x128xf32, #tpu.memory_space<hbm>>
    tpu.enqueue_indirect_dma source(%arg9 : memref<64x128xf32, #tpu.memory_space<vmem>>) target(%dma_start3A_11 : memref<5120x128xf32, #tpu.memory_space<hbm>>) offsets(%arg7 : memref<64xi32, #tpu.memory_space<vmem>>) semaphore(%arg10 : memref<!tpu.dma_semaphore, #tpu.memory_space<semaphore_mem>>)
    %dma_wait3A_12 = arith.constant 0 : i32
    %dma_wait3A_13 = arith.constant 0 : i32
    %dma_wait3A_14 = tpu.memref_slice %arg6[%dma_wait3A_12, %dma_wait3A_13] : memref<5120x128xf32, #tpu.memory_space<hbm>> -> memref<5120x128xf32, #tpu.memory_space<hbm>>
    tpu.wait_indirect_dma semaphore(%arg10 : memref<!tpu.dma_semaphore, #tpu.memory_space<semaphore_mem>>) src(%arg9 : memref<64x128xf32, #tpu.memory_space<vmem>>) dst(%dma_wait3A_14 : memref<5120x128xf32, #tpu.memory_space<hbm>>)
    %mul3A_15 = arith.constant 128 : i32
    %mul3A_16 = arith.muli %add3A, %mul3A_15 : i32
    %add3A_17 = arith.constant 64 : i32
    %add3A_18 = arith.addi %mul3A_16, %add3A_17 : i32
    "tpu.region"() ({
      %run_scoped3A = tpu.sem_alloc : memref<!tpu.dma_semaphore, #tpu.memory_space<semaphore_mem>>
      %dma_start3A_31 = tpu.memref_slice %arg4[%add3A_18] : memref<4096xi32, #tpu.memory_space<hbm>> -> memref<64xi32, #tpu.memory_space<hbm>>
      %dma_start3A_32 = tpu.memref_slice %arg4[%add3A_18] : memref<4096xi32, #tpu.memory_space<hbm>> -> memref<64xi32, #tpu.memory_space<hbm>>
      tpu.enqueue_dma source(%dma_start3A_32 : memref<64xi32, #tpu.memory_space<hbm>>) target(%arg7 : memref<64xi32, #tpu.memory_space<vmem>>) target_semaphore(%run_scoped3A : memref<!tpu.dma_semaphore, #tpu.memory_space<semaphore_mem>>)
      %dma_wait3A_33 = tpu.memref_slice %arg4[%add3A_18] : memref<4096xi32, #tpu.memory_space<hbm>> -> memref<64xi32, #tpu.memory_space<hbm>>
      %dma_wait3A_34 = tpu.memref_slice %arg4[%add3A_18] : memref<4096xi32, #tpu.memory_space<hbm>> -> memref<64xi32, #tpu.memory_space<hbm>>
      tpu.wait_dma2 semaphore(%run_scoped3A : memref<!tpu.dma_semaphore, #tpu.memory_space<semaphore_mem>>) src(%dma_wait3A_34 : memref<64xi32, #tpu.memory_space<hbm>>) dst(%arg7 : memref<64xi32, #tpu.memory_space<vmem>>)
      tpu.yield
    }) : () -> ()
    "tpu.region"() ({
      %run_scoped3A = tpu.sem_alloc : memref<!tpu.dma_semaphore, #tpu.memory_space<semaphore_mem>>
      %dma_start3A_31 = arith.constant 0 : i32
      %dma_start3A_32 = tpu.memref_slice %arg2[%add3A_18, %dma_start3A_31] : memref<4096x1024xf32, #tpu.memory_space<hbm>> -> memref<64x1024xf32, #tpu.memory_space<hbm>>
      %dma_start3A_33 = arith.constant 0 : i32
      %dma_start3A_34 = tpu.memref_slice %arg2[%add3A_18, %dma_start3A_33] : memref<4096x1024xf32, #tpu.memory_space<hbm>> -> memref<64x1024xf32, #tpu.memory_space<hbm>>
      tpu.enqueue_dma source(%dma_start3A_34 : memref<64x1024xf32, #tpu.memory_space<hbm>>) target(%arg8 : memref<64x1024xf32, #tpu.memory_space<vmem>>) target_semaphore(%run_scoped3A : memref<!tpu.dma_semaphore, #tpu.memory_space<semaphore_mem>>)
      %dma_wait3A_35 = arith.constant 0 : i32
      %dma_wait3A_36 = tpu.memref_slice %arg2[%add3A_18, %dma_wait3A_35] : memref<4096x1024xf32, #tpu.memory_space<hbm>> -> memref<64x1024xf32, #tpu.memory_space<hbm>>
      %dma_wait3A_37 = arith.constant 0 : i32
      %dma_wait3A_38 = tpu.memref_slice %arg2[%add3A_18, %dma_wait3A_37] : memref<4096x1024xf32, #tpu.memory_space<hbm>> -> memref<64x1024xf32, #tpu.memory_space<hbm>>
      tpu.wait_dma2 semaphore(%run_scoped3A : memref<!tpu.dma_semaphore, #tpu.memory_space<semaphore_mem>>) src(%dma_wait3A_38 : memref<64x1024xf32, #tpu.memory_space<hbm>>) dst(%arg8 : memref<64x1024xf32, #tpu.memory_space<vmem>>)
      tpu.yield
    }) : () -> ()
    "tpu.region"() ({
      %run_scoped3A = tpu.sem_alloc : memref<!tpu.dma_semaphore, #tpu.memory_space<semaphore_mem>>
      %dma_start3A_31 = arith.constant 0 : i32
      %dma_start3A_32 = tpu.memref_slice %arg3[%add3A_18, %dma_start3A_31] : memref<4096x128xf32, #tpu.memory_space<hbm>> -> memref<64x128xf32, #tpu.memory_space<hbm>>
      %dma_start3A_33 = arith.constant 0 : i32
      %dma_start3A_34 = tpu.memref_slice %arg3[%add3A_18, %dma_start3A_33] : memref<4096x128xf32, #tpu.memory_space<hbm>> -> memref<64x128xf32, #tpu.memory_space<hbm>>
      tpu.enqueue_dma source(%dma_start3A_34 : memref<64x128xf32, #tpu.memory_space<hbm>>) target(%arg9 : memref<64x128xf32, #tpu.memory_space<vmem>>) target_semaphore(%run_scoped3A : memref<!tpu.dma_semaphore, #tpu.memory_space<semaphore_mem>>)
      %dma_wait3A_35 = arith.constant 0 : i32
      %dma_wait3A_36 = tpu.memref_slice %arg3[%add3A_18, %dma_wait3A_35] : memref<4096x128xf32, #tpu.memory_space<hbm>> -> memref<64x128xf32, #tpu.memory_space<hbm>>
      %dma_wait3A_37 = arith.constant 0 : i32
      %dma_wait3A_38 = tpu.memref_slice %arg3[%add3A_18, %dma_wait3A_37] : memref<4096x128xf32, #tpu.memory_space<hbm>> -> memref<64x128xf32, #tpu.memory_space<hbm>>
      tpu.wait_dma2 semaphore(%run_scoped3A : memref<!tpu.dma_semaphore, #tpu.memory_space<semaphore_mem>>) src(%dma_wait3A_38 : memref<64x128xf32, #tpu.memory_space<hbm>>) dst(%arg9 : memref<64x128xf32, #tpu.memory_space<vmem>>)
      tpu.yield
    }) : () -> ()
    %dma_start3A_19 = arith.constant 0 : i32
    %dma_start3A_20 = arith.constant 0 : i32
    %dma_start3A_21 = tpu.memref_slice %arg5[%dma_start3A_19, %dma_start3A_20] : memref<5120x1024xf32, #tpu.memory_space<hbm>> -> memref<5120x1024xf32, #tpu.memory_space<hbm>>
    tpu.enqueue_indirect_dma source(%arg8 : memref<64x1024xf32, #tpu.memory_space<vmem>>) target(%dma_start3A_21 : memref<5120x1024xf32, #tpu.memory_space<hbm>>) offsets(%arg7 : memref<64xi32, #tpu.memory_space<vmem>>) semaphore(%arg10 : memref<!tpu.dma_semaphore, #tpu.memory_space<semaphore_mem>>)
    %dma_wait3A_22 = arith.constant 0 : i32
    %dma_wait3A_23 = arith.constant 0 : i32
    %dma_wait3A_24 = tpu.memref_slice %arg5[%dma_wait3A_22, %dma_wait3A_23] : memref<5120x1024xf32, #tpu.memory_space<hbm>> -> memref<5120x1024xf32, #tpu.memory_space<hbm>>
    tpu.wait_indirect_dma semaphore(%arg10 : memref<!tpu.dma_semaphore, #tpu.memory_space<semaphore_mem>>) src(%arg8 : memref<64x1024xf32, #tpu.memory_space<vmem>>) dst(%dma_wait3A_24 : memref<5120x1024xf32, #tpu.memory_space<hbm>>)
    %dma_start3A_25 = arith.constant 0 : i32
    %dma_start3A_26 = arith.constant 0 : i32
    %dma_start3A_27 = tpu.memref_slice %arg6[%dma_start3A_25, %dma_start3A_26] : memref<5120x128xf32, #tpu.memory_space<hbm>> -> memref<5120x128xf32, #tpu.memory_space<hbm>>
    tpu.enqueue_indirect_dma source(%arg9 : memref<64x128xf32, #tpu.memory_space<vmem>>) target(%dma_start3A_27 : memref<5120x128xf32, #tpu.memory_space<hbm>>) offsets(%arg7 : memref<64xi32, #tpu.memory_space<vmem>>) semaphore(%arg10 : memref<!tpu.dma_semaphore, #tpu.memory_space<semaphore_mem>>)
    %dma_wait3A_28 = arith.constant 0 : i32
    %dma_wait3A_29 = arith.constant 0 : i32
    %dma_wait3A_30 = tpu.memref_slice %arg6[%dma_wait3A_28, %dma_wait3A_29] : memref<5120x128xf32, #tpu.memory_space<hbm>> -> memref<5120x128xf32, #tpu.memory_space<hbm>>
    tpu.wait_indirect_dma semaphore(%arg10 : memref<!tpu.dma_semaphore, #tpu.memory_space<semaphore_mem>>) src(%arg9 : memref<64x128xf32, #tpu.memory_space<vmem>>) dst(%dma_wait3A_30 : memref<5120x128xf32, #tpu.memory_space<hbm>>)
    return
  }
}

module attributes {stable_mosaic.version = 14 : i64} {
  func.func @_router_body(%arg0: i32, %arg1: memref<512x1024xf32, #tpu.memory_space<vmem>>, %arg2: memref<8x1024xf32, #tpu.memory_space<vmem>>, %arg3: memref<1x8xf32, #tpu.memory_space<vmem>>, %arg4: memref<1x1x512xf32, #tpu.memory_space<vmem>>, %arg5: memref<512x128xf32, #tpu.memory_space<vmem>>, %arg6: memref<1x8xf32, #tpu.memory_space<vmem>>, %arg7: memref<1x8xf32, #tpu.memory_space<vmem>>, %arg8: memref<1x1x512xi32, #tpu.memory_space<vmem>>, %arg9: memref<1x128xi32, #tpu.memory_space<vmem>>, %arg10: memref<8x1x512xi32, #tpu.memory_space<vmem>>, %arg11: memref<8x1x512xi32, #tpu.memory_space<vmem>>) attributes {dimension_semantics = [#tpu.dimension_semantics<arbitrary>], iteration_bounds = array<i64: 16>, scalar_prefetch = 0 : i64, scratch_operands = 2 : i64, tpu.core_type = #tpu.core_type<tc>, window_params = [{transform_indices = @transform_0, window_bounds = array<i64: 512, 1024>}, {pipeline_mode = #tpu.pipeline_mode<synchronous>, transform_indices = @transform_1, window_bounds = array<i64: 8, 1024>}, {pipeline_mode = #tpu.pipeline_mode<synchronous>, transform_indices = @transform_2, window_bounds = array<i64: 1, 8>}, {transform_indices = @transform_3, window_bounds = array<i64: 1, 1, 512>}, {transform_indices = @transform_4, window_bounds = array<i64: 512, 128>}, {pipeline_mode = #tpu.pipeline_mode<synchronous>, transform_indices = @transform_5, window_bounds = array<i64: 1, 8>}, {pipeline_mode = #tpu.pipeline_mode<synchronous>, transform_indices = @transform_6, window_bounds = array<i64: 1, 8>}, {transform_indices = @transform_7, window_bounds = array<i64: 1, 1, 512>}, {pipeline_mode = #tpu.pipeline_mode<synchronous>, transform_indices = @transform_8, window_bounds = array<i64: 1, 128>}]} {
    %eq3A = arith.constant 0 : i32
    %eq3A_0 = arith.cmpi eq, %arg0, %eq3A : i32
    %convert_element_type3A = arith.extui %eq3A_0 : i1 to i32
    %cond3A = arith.constant 0 : i32
    %cond3A_1 = arith.cmpi ne, %convert_element_type3A, %cond3A : i32
    scf.if %cond3A_1 {
      %broadcast_in_dim3A = arith.constant 0.000000e+00 : f32
      %broadcast_in_dim3A_15 = vector.broadcast %broadcast_in_dim3A : f32 to vector<1x8xf32>
      %swap3A = arith.constant 0 : index
      %swap3A_16 = arith.constant 0 : index
      %swap3A_17 = vector.load %arg6[%swap3A, %swap3A_16] : memref<1x8xf32, #tpu.memory_space<vmem>>, vector<1x8xf32>
      tpu.vector_store %arg6[%swap3A, %swap3A_16], %broadcast_in_dim3A_15 {strides = array<i32>} : memref<1x8xf32, #tpu.memory_space<vmem>>, vector<1x8xf32>,
      %broadcast_in_dim3A_18 = arith.constant 0.000000e+00 : f32
      %broadcast_in_dim3A_19 = vector.broadcast %broadcast_in_dim3A_18 : f32 to vector<1x8xf32>
      %swap3A_20 = arith.constant 0 : index
      %swap3A_21 = arith.constant 0 : index
      %swap3A_22 = vector.load %arg7[%swap3A_20, %swap3A_21] : memref<1x8xf32, #tpu.memory_space<vmem>>, vector<1x8xf32>
      tpu.vector_store %arg7[%swap3A_20, %swap3A_21], %broadcast_in_dim3A_19 {strides = array<i32>} : memref<1x8xf32, #tpu.memory_space<vmem>>, vector<1x8xf32>,
    } else {
    }
    %lt3A = arith.constant 8 : i32
    %lt3A_2 = arith.cmpi slt, %arg0, %lt3A : i32
    %convert_element_type3A_3 = arith.extui %lt3A_2 : i1 to i32
    %cond3A_4 = arith.constant 0 : i32
    %cond3A_5 = arith.cmpi ne, %convert_element_type3A_3, %cond3A_4 : i32
    scf.if %cond3A_5 {
      %broadcast_in_dim3A = arith.constant 0.000000e+00 : f32
      %broadcast_in_dim3A_15 = vector.broadcast %broadcast_in_dim3A : f32 to vector<512x8xf32>
      %get3A = arith.constant 0 : index
      %get3A_16 = arith.constant 0 : index
      %get3A_17 = vector.load %arg1[%get3A, %get3A_16] : memref<512x1024xf32, #tpu.memory_space<vmem>>, vector<512x256xf32>
      %get3A_18 = arith.constant 0 : index
      %get3A_19 = arith.constant 0 : index
      %get3A_20 = vector.load %arg2[%get3A_18, %get3A_19] : memref<8x1024xf32, #tpu.memory_space<vmem>>, vector<8x256xf32>
      %dot_general3A = arith.constant dense<0.000000e+00> : vector<512x8xf32>
      %dot_general3A_21 = tpu.matmul %get3A_17, %get3A_20, %dot_general3A {dimension_numbers = #tpu.dot_dimension_numbers<[1], [1], [0], [0], [0, 0, 1, 0], [], []>, transpose_lhs_hint = false} : vector<512x256xf32>, vector<8x256xf32>, vector<512x8xf32> -> vector<512x8xf32>
      %add3A = arith.addf %broadcast_in_dim3A_15, %dot_general3A_21 : vector<512x8xf32>
      %get3A_22 = arith.constant 0 : index
      %get3A_23 = arith.constant 256 : index
      %get3A_24 = vector.load %arg1[%get3A_22, %get3A_23] : memref<512x1024xf32, #tpu.memory_space<vmem>>, vector<512x256xf32>
      %get3A_25 = arith.constant 0 : index
      %get3A_26 = arith.constant 256 : index
      %get3A_27 = vector.load %arg2[%get3A_25, %get3A_26] : memref<8x1024xf32, #tpu.memory_space<vmem>>, vector<8x256xf32>
      %dot_general3A_28 = arith.constant dense<0.000000e+00> : vector<512x8xf32>
      %dot_general3A_29 = tpu.matmul %get3A_24, %get3A_27, %dot_general3A_28 {dimension_numbers = #tpu.dot_dimension_numbers<[1], [1], [0], [0], [0, 0, 1, 0], [], []>, transpose_lhs_hint = false} : vector<512x256xf32>, vector<8x256xf32>, vector<512x8xf32> -> vector<512x8xf32>
      %add3A_30 = arith.addf %add3A, %dot_general3A_29 : vector<512x8xf32>
      %get3A_31 = arith.constant 0 : index
      %get3A_32 = arith.constant 512 : index
      %get3A_33 = vector.load %arg1[%get3A_31, %get3A_32] : memref<512x1024xf32, #tpu.memory_space<vmem>>, vector<512x256xf32>
      %get3A_34 = arith.constant 0 : index
      %get3A_35 = arith.constant 512 : index
      %get3A_36 = vector.load %arg2[%get3A_34, %get3A_35] : memref<8x1024xf32, #tpu.memory_space<vmem>>, vector<8x256xf32>
      %dot_general3A_37 = arith.constant dense<0.000000e+00> : vector<512x8xf32>
      %dot_general3A_38 = tpu.matmul %get3A_33, %get3A_36, %dot_general3A_37 {dimension_numbers = #tpu.dot_dimension_numbers<[1], [1], [0], [0], [0, 0, 1, 0], [], []>, transpose_lhs_hint = false} : vector<512x256xf32>, vector<8x256xf32>, vector<512x8xf32> -> vector<512x8xf32>
      %add3A_39 = arith.addf %add3A_30, %dot_general3A_38 : vector<512x8xf32>
      %get3A_40 = arith.constant 0 : index
      %get3A_41 = arith.constant 768 : index
      %get3A_42 = vector.load %arg1[%get3A_40, %get3A_41] : memref<512x1024xf32, #tpu.memory_space<vmem>>, vector<512x256xf32>
      %get3A_43 = arith.constant 0 : index
      %get3A_44 = arith.constant 768 : index
      %get3A_45 = vector.load %arg2[%get3A_43, %get3A_44] : memref<8x1024xf32, #tpu.memory_space<vmem>>, vector<8x256xf32>
      %dot_general3A_46 = arith.constant dense<0.000000e+00> : vector<512x8xf32>
      %dot_general3A_47 = tpu.matmul %get3A_42, %get3A_45, %dot_general3A_46 {dimension_numbers = #tpu.dot_dimension_numbers<[1], [1], [0], [0], [0, 0, 1, 0], [], []>, transpose_lhs_hint = false} : vector<512x256xf32>, vector<8x256xf32>, vector<512x8xf32> -> vector<512x8xf32>
      %add3A_48 = arith.addf %add3A_39, %dot_general3A_47 : vector<512x8xf32>
      %get3A_49 = arith.constant 0 : index
      %get3A_50 = arith.constant 0 : index
      %get3A_51 = vector.load %arg3[%get3A_49, %get3A_50] : memref<1x8xf32, #tpu.memory_space<vmem>>, vector<1x8xf32>
      %add3A_52 = vector.broadcast %get3A_51 : vector<1x8xf32> to vector<512x8xf32>
      %add3A_53 = arith.addf %add3A_48, %add3A_52 : vector<512x8xf32>
      %reduce_max3A = arith.constant dense<0xFF800000> : vector<512xf32>
      %reduce_max3A_54 = vector.multi_reduction <maximumf>, %add3A_53, %reduce_max3A [1] : vector<512x8xf32> to vector<512xf32>
      %broadcast_in_dim3A_55 = vector.shape_cast %reduce_max3A_54 : vector<512xf32> to vector<512x1xf32>
      %sub3A = vector.broadcast %broadcast_in_dim3A_55 : vector<512x1xf32> to vector<512x8xf32>
      %sub3A_56 = arith.subf %add3A_53, %sub3A : vector<512x8xf32>
      %exp3A = math.exp %sub3A_56 : vector<512x8xf32>
      %reduce_sum3A = arith.constant dense<0.000000e+00> : vector<512xf32>
      %reduce_sum3A_57 = vector.multi_reduction <add>, %exp3A, %reduce_sum3A [1] : vector<512x8xf32> to vector<512xf32>
      %broadcast_in_dim3A_58 = vector.shape_cast %reduce_sum3A_57 : vector<512xf32> to vector<512x1xf32>
      %div3A = vector.broadcast %broadcast_in_dim3A_58 : vector<512x1xf32> to vector<512x8xf32>
      %div3A_59 = arith.divf %exp3A, %div3A : vector<512x8xf32>
      %reduce_max3A_60 = arith.constant dense<0xFF800000> : vector<512xf32>
      %reduce_max3A_61 = vector.multi_reduction <maximumf>, %div3A_59, %reduce_max3A_60 [1] : vector<512x8xf32> to vector<512xf32>
      %iota3A = tpu.iota {dimensions = array<i32: 1>} : vector<512x8xi32>
      %eq3A_62 = vector.broadcast %broadcast_in_dim3A_55 : vector<512x1xf32> to vector<512x8xf32>
      %eq3A_63 = arith.cmpf oeq, %add3A_53, %eq3A_62 : vector<512x8xf32>
      %jit3A = arith.constant 8 : i32
      %broadcast_in_dim3A_64 = vector.broadcast %jit3A : i32 to vector<512x8xi32>
      %select_n3A = arith.select %eq3A_63, %iota3A, %broadcast_in_dim3A_64 : vector<512x8xi1>, vector<512x8xi32>
      %reduce_min3A = arith.constant dense<2147483647> : vector<512xi32>
      %reduce_min3A_65 = vector.multi_reduction <minsi>, %select_n3A, %reduce_min3A [1] : vector<512x8xi32> to vector<512xi32>
      %broadcast_in_dim3A_66 = vector.shape_cast %reduce_min3A_65 : vector<512xi32> to vector<512x1xi32>
      %eq3A_67 = vector.broadcast %broadcast_in_dim3A_66 : vector<512x1xi32> to vector<512x8xi32>
      %eq3A_68 = arith.cmpi eq, %eq3A_67, %iota3A : vector<512x8xi32>
      %convert_element_type3A_69 = arith.extui %eq3A_68 : vector<512x8xi1> to vector<512x8xi32>
      %convert_element_type3A_70 = arith.sitofp %convert_element_type3A_69 : vector<512x8xi32> to vector<512x8xf32>
      %iota3A_71 = tpu.iota {dimensions = array<i32: 0>} : vector<512x512xi32>
      %iota3A_72 = tpu.iota {dimensions = array<i32: 1>} : vector<512x512xi32>
      %lt3A_73 = arith.cmpi slt, %iota3A_72, %iota3A_71 : vector<512x512xi32>
      %convert_element_type3A_74 = arith.extui %lt3A_73 : vector<512x512xi1> to vector<512x512xi32>
      %convert_element_type3A_75 = arith.sitofp %convert_element_type3A_74 : vector<512x512xi32> to vector<512x512xf32>
      %dot_general3A_76 = arith.constant dense<0.000000e+00> : vector<512x8xf32>
      %dot_general3A_77 = tpu.matmul %convert_element_type3A_75, %convert_element_type3A_70, %dot_general3A_76 {dimension_numbers = #tpu.dot_dimension_numbers<[1], [0], [0], [1], [0, 0, 1, 1], [], []>, transpose_lhs_hint = false} : vector<512x512xf32>, vector<512x8xf32>, vector<512x8xf32> -> vector<512x8xf32>
      %get3A_78 = arith.constant 0 : index
      %get3A_79 = arith.constant 0 : index
      %get3A_80 = vector.load %arg6[%get3A_78, %get3A_79] : memref<1x8xf32, #tpu.memory_space<vmem>>, vector<1x8xf32>
      %add3A_81 = vector.broadcast %get3A_80 : vector<1x8xf32> to vector<512x8xf32>
      %add3A_82 = arith.addf %add3A_81, %dot_general3A_77 : vector<512x8xf32>
      %mul3A = arith.mulf %convert_element_type3A_70, %add3A_82 : vector<512x8xf32>
      %reduce_sum3A_83 = arith.constant dense<0.000000e+00> : vector<512xf32>
      %reduce_sum3A_84 = vector.multi_reduction <add>, %mul3A, %reduce_sum3A_83 [1] : vector<512x8xf32> to vector<512xf32>
      %convert_element_type3A_85 = arith.fptosi %reduce_sum3A_84 : vector<512xf32> to vector<512xi32>
      %reshape3A = vector.shape_cast %reduce_max3A_61 : vector<512xf32> to vector<1x1x512xf32>
      %swap3A = arith.constant 0 : index
      %swap3A_86 = arith.constant 0 : index
      %swap3A_87 = arith.constant 0 : index
      %swap3A_88 = vector.load %arg4[%swap3A, %swap3A_86, %swap3A_87] : memref<1x1x512xf32, #tpu.memory_space<vmem>>, vector<1x1x512xf32>
      tpu.vector_store %arg4[%swap3A, %swap3A_86, %swap3A_87], %reshape3A {strides = array<i32>} : memref<1x1x512xf32, #tpu.memory_space<vmem>>, vector<1x1x512xf32>,
      %broadcast_in_dim3A_89 = vector.shape_cast %reduce_max3A_61 : vector<512xf32> to vector<512x1xf32>
      %broadcast_in_dim3A_90 = vector.shape_cast %broadcast_in_dim3A_89 : vector<512x1xf32> to vector<512x1xf32>
      %broadcast_in_dim3A_91 = vector.broadcast %broadcast_in_dim3A_90 : vector<512x1xf32> to vector<512x128xf32>
      %swap3A_92 = arith.constant 0 : index
      %swap3A_93 = arith.constant 0 : index
      %swap3A_94 = vector.load %arg5[%swap3A_92, %swap3A_93] : memref<512x128xf32, #tpu.memory_space<vmem>>, vector<512x128xf32>
      tpu.vector_store %arg5[%swap3A_92, %swap3A_93], %broadcast_in_dim3A_91 {strides = array<i32>} : memref<512x128xf32, #tpu.memory_space<vmem>>, vector<512x128xf32>,
      %reshape3A_95 = vector.shape_cast %reduce_min3A_65 : vector<512xi32> to vector<1x1x512xi32>
      %swap3A_96 = arith.index_cast %arg0 : i32 to index
      %swap3A_97 = arith.constant 0 : index
      %swap3A_98 = arith.constant 0 : index
      %swap3A_99 = vector.load %arg10[%swap3A_96, %swap3A_97, %swap3A_98] : memref<8x1x512xi32, #tpu.memory_space<vmem>>, vector<1x1x512xi32>
      tpu.vector_store %arg10[%swap3A_96, %swap3A_97, %swap3A_98], %reshape3A_95 {strides = array<i32>} : memref<8x1x512xi32, #tpu.memory_space<vmem>>, vector<1x1x512xi32>,
      %reshape3A_100 = vector.shape_cast %convert_element_type3A_85 : vector<512xi32> to vector<1x1x512xi32>
      %swap3A_101 = arith.index_cast %arg0 : i32 to index
      %swap3A_102 = arith.constant 0 : index
      %swap3A_103 = arith.constant 0 : index
      %swap3A_104 = vector.load %arg11[%swap3A_101, %swap3A_102, %swap3A_103] : memref<8x1x512xi32, #tpu.memory_space<vmem>>, vector<1x1x512xi32>
      tpu.vector_store %arg11[%swap3A_101, %swap3A_102, %swap3A_103], %reshape3A_100 {strides = array<i32>} : memref<8x1x512xi32, #tpu.memory_space<vmem>>, vector<1x1x512xi32>,
      %reduce_sum3A_105 = arith.constant dense<0.000000e+00> : vector<8xf32>
      %reduce_sum3A_106 = vector.multi_reduction <add>, %convert_element_type3A_70, %reduce_sum3A_105 [0] : vector<512x8xf32> to vector<8xf32>
      %broadcast_in_dim3A_107 = vector.shape_cast %reduce_sum3A_106 : vector<8xf32> to vector<1x8xf32>
      %add3A_108 = arith.addf %get3A_80, %broadcast_in_dim3A_107 : vector<1x8xf32>
      %swap3A_109 = arith.constant 0 : index
      %swap3A_110 = arith.constant 0 : index
      %swap3A_111 = vector.load %arg6[%swap3A_109, %swap3A_110] : memref<1x8xf32, #tpu.memory_space<vmem>>, vector<1x8xf32>
      tpu.vector_store %arg6[%swap3A_109, %swap3A_110], %add3A_108 {strides = array<i32>} : memref<1x8xf32, #tpu.memory_space<vmem>>, vector<1x8xf32>,
      %get3A_112 = arith.constant 0 : index
      %get3A_113 = arith.constant 0 : index
      %get3A_114 = vector.load %arg7[%get3A_112, %get3A_113] : memref<1x8xf32, #tpu.memory_space<vmem>>, vector<1x8xf32>
      %reduce_sum3A_115 = arith.constant dense<0.000000e+00> : vector<8xf32>
      %reduce_sum3A_116 = vector.multi_reduction <add>, %div3A_59, %reduce_sum3A_115 [0] : vector<512x8xf32> to vector<8xf32>
      %broadcast_in_dim3A_117 = vector.shape_cast %reduce_sum3A_116 : vector<8xf32> to vector<1x8xf32>
      %add3A_118 = arith.addf %get3A_114, %broadcast_in_dim3A_117 : vector<1x8xf32>
      %swap3A_119 = arith.constant 0 : index
      %swap3A_120 = arith.constant 0 : index
      %swap3A_121 = vector.load %arg7[%swap3A_119, %swap3A_120] : memref<1x8xf32, #tpu.memory_space<vmem>>, vector<1x8xf32>
      tpu.vector_store %arg7[%swap3A_119, %swap3A_120], %add3A_118 {strides = array<i32>} : memref<1x8xf32, #tpu.memory_space<vmem>>, vector<1x8xf32>,
    } else {
    }
    %ge3A = arith.constant 8 : i32
    %ge3A_6 = arith.cmpi sge, %arg0, %ge3A : i32
    %convert_element_type3A_7 = arith.extui %ge3A_6 : i1 to i32
    %cond3A_8 = arith.constant 0 : i32
    %cond3A_9 = arith.cmpi ne, %convert_element_type3A_7, %cond3A_8 : i32
    scf.if %cond3A_9 {
      %sub3A = arith.constant 8 : i32
      %sub3A_15 = arith.subi %arg0, %sub3A : i32
      %get3A = arith.index_cast %sub3A_15 : i32 to index
      %get3A_16 = arith.constant 0 : index
      %get3A_17 = arith.constant 0 : index
      %get3A_18 = vector.load %arg10[%get3A, %get3A_16, %get3A_17] : memref<8x1x512xi32, #tpu.memory_space<vmem>>, vector<1x1x512xi32>
      %get3A_19 = vector.shape_cast %get3A_18 : vector<1x1x512xi32> to vector<512xi32>
      %get3A_20 = arith.index_cast %sub3A_15 : i32 to index
      %get3A_21 = arith.constant 0 : index
      %get3A_22 = arith.constant 0 : index
      %get3A_23 = vector.load %arg11[%get3A_20, %get3A_21, %get3A_22] : memref<8x1x512xi32, #tpu.memory_space<vmem>>, vector<1x1x512xi32>
      %get3A_24 = vector.shape_cast %get3A_23 : vector<1x1x512xi32> to vector<512xi32>
      %get3A_25 = arith.constant 0 : index
      %get3A_26 = arith.constant 0 : index
      %get3A_27 = vector.load %arg6[%get3A_25, %get3A_26] : memref<1x8xf32, #tpu.memory_space<vmem>>, vector<1x8xf32>
      %div3A = arith.constant 1.280000e+02 : f32
      %div3A_28 = vector.broadcast %div3A : f32 to vector<1x8xf32>
      %div3A_29 = arith.divf %get3A_27, %div3A_28 : vector<1x8xf32>
      %ceil3A = math.ceil %div3A_29 : vector<1x8xf32>
      %mul3A = arith.constant 1.280000e+02 : f32
      %mul3A_30 = vector.broadcast %mul3A : f32 to vector<1x8xf32>
      %mul3A_31 = arith.mulf %ceil3A, %mul3A_30 : vector<1x8xf32>
      %iota3A = tpu.iota {dimensions = array<i32: 0>} : vector<8x8xi32>
      %iota3A_32 = tpu.iota {dimensions = array<i32: 1>} : vector<8x8xi32>
      %lt3A_33 = arith.cmpi slt, %iota3A, %iota3A_32 : vector<8x8xi32>
      %convert_element_type3A_34 = arith.extui %lt3A_33 : vector<8x8xi1> to vector<8x8xi32>
      %convert_element_type3A_35 = arith.sitofp %convert_element_type3A_34 : vector<8x8xi32> to vector<8x8xf32>
      %dot_general3A = arith.constant dense<0.000000e+00> : vector<1x8xf32>
      %dot_general3A_36 = tpu.matmul %mul3A_31, %convert_element_type3A_35, %dot_general3A {dimension_numbers = #tpu.dot_dimension_numbers<[1], [0], [0], [1], [0, 0, 1, 1], [], []>, transpose_lhs_hint = false} : vector<1x8xf32>, vector<8x8xf32>, vector<1x8xf32> -> vector<1x8xf32>
      %iota3A_37 = tpu.iota {dimensions = array<i32: 0>} : vector<8x512xi32>
      %broadcast_in_dim3A = vector.shape_cast %get3A_19 : vector<512xi32> to vector<1x512xi32>
      %eq3A_38 = vector.broadcast %broadcast_in_dim3A : vector<1x512xi32> to vector<8x512xi32>
      %eq3A_39 = arith.cmpi eq, %iota3A_37, %eq3A_38 : vector<8x512xi32>
      %convert_element_type3A_40 = arith.extui %eq3A_39 : vector<8x512xi1> to vector<8x512xi32>
      %convert_element_type3A_41 = arith.sitofp %convert_element_type3A_40 : vector<8x512xi32> to vector<8x512xf32>
      %dot_general3A_42 = arith.constant dense<0.000000e+00> : vector<1x512xf32>
      %dot_general3A_43 = tpu.matmul %dot_general3A_36, %convert_element_type3A_41, %dot_general3A_42 {dimension_numbers = #tpu.dot_dimension_numbers<[1], [0], [0], [1], [0, 0, 1, 1], [], []>, transpose_lhs_hint = false} : vector<1x8xf32>, vector<8x512xf32>, vector<1x512xf32> -> vector<1x512xf32>
      %convert_element_type3A_44 = arith.fptosi %dot_general3A_43 : vector<1x512xf32> to vector<1x512xi32>
      %broadcast_in_dim3A_45 = vector.shape_cast %get3A_24 : vector<512xi32> to vector<1x512xi32>
      %add3A = arith.addi %broadcast_in_dim3A_45, %convert_element_type3A_44 : vector<1x512xi32>
      %reshape3A = vector.shape_cast %add3A : vector<1x512xi32> to vector<1x1x512xi32>
      %swap3A = arith.constant 0 : index
      %swap3A_46 = arith.constant 0 : index
      %swap3A_47 = arith.constant 0 : index
      %swap3A_48 = vector.load %arg8[%swap3A, %swap3A_46, %swap3A_47] : memref<1x1x512xi32, #tpu.memory_space<vmem>>, vector<1x1x512xi32>
      tpu.vector_store %arg8[%swap3A, %swap3A_46, %swap3A_47], %reshape3A {strides = array<i32>} : memref<1x1x512xi32, #tpu.memory_space<vmem>>, vector<1x1x512xi32>,
    } else {
    }
    %eq3A_10 = arith.constant 8 : i32
    %eq3A_11 = arith.cmpi eq, %arg0, %eq3A_10 : i32
    %convert_element_type3A_12 = arith.extui %eq3A_11 : i1 to i32
    %cond3A_13 = arith.constant 0 : i32
    %cond3A_14 = arith.cmpi ne, %convert_element_type3A_12, %cond3A_13 : i32
    scf.if %cond3A_14 {
      %get3A = arith.constant 0 : index
      %get3A_15 = arith.constant 0 : index
      %get3A_16 = vector.load %arg6[%get3A, %get3A_15] : memref<1x8xf32, #tpu.memory_space<vmem>>, vector<1x8xf32>
      %div3A = arith.constant 1.280000e+02 : f32
      %div3A_17 = vector.broadcast %div3A : f32 to vector<1x8xf32>
      %div3A_18 = arith.divf %get3A_16, %div3A_17 : vector<1x8xf32>
      %ceil3A = math.ceil %div3A_18 : vector<1x8xf32>
      %mul3A = arith.constant 1.280000e+02 : f32
      %mul3A_19 = vector.broadcast %mul3A : f32 to vector<1x8xf32>
      %mul3A_20 = arith.mulf %ceil3A, %mul3A_19 : vector<1x8xf32>
      %div3A_21 = arith.constant 1.280000e+02 : f32
      %div3A_22 = vector.broadcast %div3A_21 : f32 to vector<1x8xf32>
      %div3A_23 = arith.divf %mul3A_20, %div3A_22 : vector<1x8xf32>
      %iota3A = tpu.iota {dimensions = array<i32: 0>} : vector<8x8xi32>
      %iota3A_24 = tpu.iota {dimensions = array<i32: 1>} : vector<8x8xi32>
      %le3A = arith.cmpi sle, %iota3A, %iota3A_24 : vector<8x8xi32>
      %convert_element_type3A_25 = arith.extui %le3A : vector<8x8xi1> to vector<8x8xi32>
      %convert_element_type3A_26 = arith.sitofp %convert_element_type3A_25 : vector<8x8xi32> to vector<8x8xf32>
      %dot_general3A = arith.constant dense<0.000000e+00> : vector<1x8xf32>
      %dot_general3A_27 = tpu.matmul %div3A_23, %convert_element_type3A_26, %dot_general3A {dimension_numbers = #tpu.dot_dimension_numbers<[1], [0], [0], [1], [0, 0, 1, 1], [], []>, transpose_lhs_hint = false} : vector<1x8xf32>, vector<8x8xf32>, vector<1x8xf32> -> vector<1x8xf32>
      %transpose3A = tpu.transpose %dot_general3A_27, [1, 0] : vector<1x8xf32> -> vector<8x1xf32>
      %iota3A_28 = tpu.iota {dimensions = array<i32: 1>} : vector<1x128xi32>
      %convert_element_type3A_29 = arith.sitofp %iota3A_28 : vector<1x128xi32> to vector<1x128xf32>
      %ge3A_30 = vector.broadcast %convert_element_type3A_29 : vector<1x128xf32> to vector<8x128xf32>
      %ge3A_31 = vector.broadcast %transpose3A : vector<8x1xf32> to vector<8x128xf32>
      %ge3A_32 = arith.cmpf oge, %ge3A_30, %ge3A_31 : vector<8x128xf32>
      %convert_element_type3A_33 = arith.extui %ge3A_32 : vector<8x128xi1> to vector<8x128xi32>
      %reduce_sum3A = arith.constant dense<0> : vector<128xi32>
      %reduce_sum3A_34 = vector.multi_reduction <add>, %convert_element_type3A_33, %reduce_sum3A [0] : vector<8x128xi32> to vector<128xi32>
      %broadcast_in_dim3A = vector.shape_cast %reduce_sum3A_34 : vector<128xi32> to vector<1x128xi32>
      %min3A = arith.constant 7 : i32
      %min3A_35 = vector.broadcast %min3A : i32 to vector<1x128xi32>
      %min3A_36 = arith.minsi %broadcast_in_dim3A, %min3A_35 : vector<1x128xi32>
      %reduce_sum3A_37 = arith.constant dense<0.000000e+00> : vector<1xf32>
      %reduce_sum3A_38 = vector.multi_reduction <add>, %mul3A_20, %reduce_sum3A_37 [1] : vector<1x8xf32> to vector<1xf32>
      %broadcast_in_dim3A_39 = vector.shape_cast %reduce_sum3A_38 : vector<1xf32> to vector<1x1xf32>
      %convert_element_type3A_40 = arith.fptosi %broadcast_in_dim3A_39 : vector<1x1xf32> to vector<1x1xi32>
      %lt3A_41 = arith.constant 6.400000e+01 : f32
      %lt3A_42 = vector.broadcast %lt3A_41 : f32 to vector<1x128xf32>
      %lt3A_43 = arith.cmpf olt, %convert_element_type3A_29, %lt3A_42 : vector<1x128xf32>
      %broadcast_in_dim3A_44 = vector.shape_cast %convert_element_type3A_40 : vector<1x1xi32> to vector<1x1xi32>
      %broadcast_in_dim3A_45 = vector.broadcast %broadcast_in_dim3A_44 : vector<1x1xi32> to vector<1x128xi32>
      %select_n3A = arith.select %lt3A_43, %min3A_36, %broadcast_in_dim3A_45 : vector<1x128xi1>, vector<1x128xi32>
      %swap3A = arith.constant 0 : index
      %swap3A_46 = arith.constant 0 : index
      %swap3A_47 = vector.load %arg9[%swap3A, %swap3A_46] : memref<1x128xi32, #tpu.memory_space<vmem>>, vector<1x128xi32>
      tpu.vector_store %arg9[%swap3A, %swap3A_46], %select_n3A {strides = array<i32>} : memref<1x128xi32, #tpu.memory_space<vmem>>, vector<1x128xi32>,
    } else {
    }
    return
  }
  func.func @transform_0(%arg0: i32) -> (i32, i32) {
    %min3A = arith.constant 7 : i32
    %min3A_0 = arith.minsi %arg0, %min3A : i32
    %c0_i32 = arith.constant 0 : i32
    %c0_i32_1 = arith.constant 0 : i32
    return %min3A_0, %c0_i32 : i32, i32
  }
  func.func @transform_1(%arg0: i32) -> (i32, i32) {
    %c0_i32 = arith.constant 0 : i32
    %c0_i32_0 = arith.constant 0 : i32
    %c0_i32_1 = arith.constant 0 : i32
    return %c0_i32, %c0_i32_0 : i32, i32
  }
  func.func @transform_2(%arg0: i32) -> (i32, i32) {
    %c0_i32 = arith.constant 0 : i32
    %c0_i32_0 = arith.constant 0 : i32
    %c0_i32_1 = arith.constant 0 : i32
    return %c0_i32, %c0_i32_0 : i32, i32
  }
  func.func @transform_3(%arg0: i32) -> (i32, i32, i32) {
    %min3A = arith.constant 7 : i32
    %min3A_0 = arith.minsi %arg0, %min3A : i32
    %c0_i32 = arith.constant 0 : i32
    %c0_i32_1 = arith.constant 0 : i32
    %c0_i32_2 = arith.constant 0 : i32
    return %min3A_0, %c0_i32, %c0_i32_1 : i32, i32, i32
  }
  func.func @transform_4(%arg0: i32) -> (i32, i32) {
    %min3A = arith.constant 7 : i32
    %min3A_0 = arith.minsi %arg0, %min3A : i32
    %c0_i32 = arith.constant 0 : i32
    %c0_i32_1 = arith.constant 0 : i32
    return %min3A_0, %c0_i32 : i32, i32
  }
  func.func @transform_5(%arg0: i32) -> (i32, i32) {
    %c0_i32 = arith.constant 0 : i32
    %c0_i32_0 = arith.constant 0 : i32
    %c0_i32_1 = arith.constant 0 : i32
    return %c0_i32, %c0_i32_0 : i32, i32
  }
  func.func @transform_6(%arg0: i32) -> (i32, i32) {
    %c0_i32 = arith.constant 0 : i32
    %c0_i32_0 = arith.constant 0 : i32
    %c0_i32_1 = arith.constant 0 : i32
    return %c0_i32, %c0_i32_0 : i32, i32
  }
  func.func @transform_7(%arg0: i32) -> (i32, i32, i32) {
    %sub3A = arith.constant 8 : i32
    %sub3A_0 = arith.subi %arg0, %sub3A : i32
    %max3A = arith.constant 0 : i32
    %max3A_1 = arith.maxsi %sub3A_0, %max3A : i32
    %c0_i32 = arith.constant 0 : i32
    %c0_i32_2 = arith.constant 0 : i32
    %c0_i32_3 = arith.constant 0 : i32
    return %max3A_1, %c0_i32, %c0_i32_2 : i32, i32, i32
  }
  func.func @transform_8(%arg0: i32) -> (i32, i32) {
    %c0_i32 = arith.constant 0 : i32
    %c0_i32_0 = arith.constant 0 : i32
    %c0_i32_1 = arith.constant 0 : i32
    return %c0_i32, %c0_i32_0 : i32, i32
  }
}

module attributes {stable_mosaic.version = 14 : i64} {
  func.func @_expert_body(%arg0: i32, %arg1: memref<64xi32, #tpu.memory_space<smem>>, %arg2: memref<1xi32, #tpu.memory_space<smem>>, %arg3: memref<128x1024xf32, #tpu.memory_space<vmem>>, %arg4: memref<1x1024x1024xf32, #tpu.memory_space<vmem>>, %arg5: memref<1x1024x1024xf32, #tpu.memory_space<vmem>>, %arg6: memref<1x1x1024xf32, #tpu.memory_space<vmem>>, %arg7: memref<1x1x1024xf32, #tpu.memory_space<vmem>>, %arg8: memref<128x128xf32, #tpu.memory_space<vmem>>, %arg9: memref<128x1024xf32, #tpu.memory_space<vmem>>) attributes {dimension_semantics = [#tpu.dimension_semantics<arbitrary>], iteration_bounds = array<i64: 40>, scalar_prefetch = 2 : i64, scratch_operands = 0 : i64, tpu.core_type = #tpu.core_type<tc>, window_params = [{transform_indices = @transform_0, window_bounds = array<i64: 128, 1024>}, {transform_indices = @transform_1, window_bounds = array<i64: 1, 1024, 1024>}, {transform_indices = @transform_2, window_bounds = array<i64: 1, 1024, 1024>}, {transform_indices = @transform_3, window_bounds = array<i64: 1, 1, 1024>}, {transform_indices = @transform_4, window_bounds = array<i64: 1, 1, 1024>}, {transform_indices = @transform_5, window_bounds = array<i64: 128, 128>}, {transform_indices = @transform_6, window_bounds = array<i64: 128, 1024>}]} {
    %mul3A = arith.constant 128 : i32
    %mul3A_0 = arith.muli %arg0, %mul3A : i32
    %get3A = arith.constant 0 : index
    %get3A_1 = memref.load %arg2[%get3A] : memref<1xi32, #tpu.memory_space<smem>>
    %lt3A = arith.cmpi slt, %mul3A_0, %get3A_1 : i32
    %convert_element_type3A = arith.extui %lt3A : i1 to i32
    %cond3A = arith.constant 0 : i32
    %cond3A_2 = arith.cmpi ne, %convert_element_type3A, %cond3A : i32
    scf.if %cond3A_2 {
      %get3A_3 = arith.constant 0 : index
      %get3A_4 = arith.constant 0 : index
      %get3A_5 = vector.load %arg3[%get3A_3, %get3A_4] : memref<128x1024xf32, #tpu.memory_space<vmem>>, vector<128x1024xf32>
      %transpose3A = tpu.transpose %get3A_5, [1, 0] : vector<128x1024xf32> -> vector<1024x128xf32>
      %get3A_6 = arith.constant 0 : index
      %get3A_7 = arith.constant 0 : index
      %get3A_8 = arith.constant 0 : index
      %get3A_9 = vector.load %arg4[%get3A_6, %get3A_7, %get3A_8] : memref<1x1024x1024xf32, #tpu.memory_space<vmem>>, vector<1x1024x1024xf32>
      %get3A_10 = vector.shape_cast %get3A_9 : vector<1x1024x1024xf32> to vector<1024x1024xf32>
      %get3A_11 = arith.constant 0 : index
      %get3A_12 = arith.constant 0 : index
      %get3A_13 = arith.constant 0 : index
      %get3A_14 = vector.load %arg6[%get3A_11, %get3A_12, %get3A_13] : memref<1x1x1024xf32, #tpu.memory_space<vmem>>, vector<1x1x1024xf32>
      %get3A_15 = vector.shape_cast %get3A_14 : vector<1x1x1024xf32> to vector<1x1024xf32>
      %transpose3A_16 = tpu.transpose %get3A_15, [1, 0] : vector<1x1024xf32> -> vector<1024x1xf32>
      %dot_general3A = arith.constant dense<0.000000e+00> : vector<1024x128xf32>
      %dot_general3A_17 = tpu.matmul %get3A_10, %transpose3A, %dot_general3A {dimension_numbers = #tpu.dot_dimension_numbers<[1], [0], [0], [1], [0, 0, 1, 1], [], []>, transpose_lhs_hint = false} : vector<1024x1024xf32>, vector<1024x128xf32>, vector<1024x128xf32> -> vector<1024x128xf32>
      %add3A = vector.broadcast %transpose3A_16 : vector<1024x1xf32> to vector<1024x128xf32>
      %add3A_18 = arith.addf %dot_general3A_17, %add3A : vector<1024x128xf32>
      %get3A_19 = arith.constant 0 : index
      %get3A_20 = arith.constant 0 : index
      %get3A_21 = arith.constant 0 : index
      %get3A_22 = vector.load %arg5[%get3A_19, %get3A_20, %get3A_21] : memref<1x1024x1024xf32, #tpu.memory_space<vmem>>, vector<1x1024x1024xf32>
      %get3A_23 = vector.shape_cast %get3A_22 : vector<1x1024x1024xf32> to vector<1024x1024xf32>
      %get3A_24 = arith.constant 0 : index
      %get3A_25 = arith.constant 0 : index
      %get3A_26 = arith.constant 0 : index
      %get3A_27 = vector.load %arg7[%get3A_24, %get3A_25, %get3A_26] : memref<1x1x1024xf32, #tpu.memory_space<vmem>>, vector<1x1x1024xf32>
      %get3A_28 = vector.shape_cast %get3A_27 : vector<1x1x1024xf32> to vector<1x1024xf32>
      %transpose3A_29 = tpu.transpose %get3A_28, [1, 0] : vector<1x1024xf32> -> vector<1024x1xf32>
      %dot_general3A_30 = arith.constant dense<0.000000e+00> : vector<1024x128xf32>
      %dot_general3A_31 = tpu.matmul %get3A_23, %add3A_18, %dot_general3A_30 {dimension_numbers = #tpu.dot_dimension_numbers<[1], [0], [0], [1], [0, 0, 1, 1], [], []>, transpose_lhs_hint = false} : vector<1024x1024xf32>, vector<1024x128xf32>, vector<1024x128xf32> -> vector<1024x128xf32>
      %add3A_32 = vector.broadcast %transpose3A_29 : vector<1024x1xf32> to vector<1024x128xf32>
      %add3A_33 = arith.addf %dot_general3A_31, %add3A_32 : vector<1024x128xf32>
      %get3A_34 = arith.constant 0 : index
      %get3A_35 = arith.constant 0 : index
      %get3A_36 = vector.load %arg8[%get3A_34, %get3A_35] : memref<128x128xf32, #tpu.memory_space<vmem>>, vector<128x1xf32>
      %transpose3A_37 = tpu.transpose %get3A_36, [1, 0] : vector<128x1xf32> -> vector<1x128xf32>
      %mul3A_38 = vector.broadcast %transpose3A_37 : vector<1x128xf32> to vector<1024x128xf32>
      %mul3A_39 = arith.mulf %add3A_33, %mul3A_38 : vector<1024x128xf32>
      %transpose3A_40 = tpu.transpose %mul3A_39, [1, 0] : vector<1024x128xf32> -> vector<128x1024xf32>
      %swap3A = arith.constant 0 : index
      %swap3A_41 = arith.constant 0 : index
      %swap3A_42 = vector.load %arg9[%swap3A, %swap3A_41] : memref<128x1024xf32, #tpu.memory_space<vmem>>, vector<128x1024xf32>
      tpu.vector_store %arg9[%swap3A, %swap3A_41], %transpose3A_40 {strides = array<i32>} : memref<128x1024xf32, #tpu.memory_space<vmem>>, vector<128x1024xf32>,
    } else {
    }
    return
  }
  func.func @transform_0(%arg0: i32, %arg1: memref<64xi32, #tpu.memory_space<smem>>, %arg2: memref<1xi32, #tpu.memory_space<smem>>) -> (i32, i32) {
    %c0_i32 = arith.constant 0 : i32
    %c0_i32_0 = arith.constant 0 : i32
    return %arg0, %c0_i32 : i32, i32
  }
  func.func @transform_1(%arg0: i32, %arg1: memref<64xi32, #tpu.memory_space<smem>>, %arg2: memref<1xi32, #tpu.memory_space<smem>>) -> (i32, i32, i32) {
    %get3A = arith.index_cast %arg0 : i32 to index
    %get3A_0 = memref.load %arg1[%get3A] : memref<64xi32, #tpu.memory_space<smem>>
    %mul3A = arith.constant 2 : i32
    %mul3A_1 = arith.muli %get3A_0, %mul3A : i32
    %c0_i32 = arith.constant 0 : i32
    %c0_i32_2 = arith.constant 0 : i32
    %c0_i32_3 = arith.constant 0 : i32
    return %mul3A_1, %c0_i32, %c0_i32_2 : i32, i32, i32
  }
  func.func @transform_2(%arg0: i32, %arg1: memref<64xi32, #tpu.memory_space<smem>>, %arg2: memref<1xi32, #tpu.memory_space<smem>>) -> (i32, i32, i32) {
    %get3A = arith.index_cast %arg0 : i32 to index
    %get3A_0 = memref.load %arg1[%get3A] : memref<64xi32, #tpu.memory_space<smem>>
    %mul3A = arith.constant 2 : i32
    %mul3A_1 = arith.muli %get3A_0, %mul3A : i32
    %add3A = arith.constant 1 : i32
    %add3A_2 = arith.addi %mul3A_1, %add3A : i32
    %c0_i32 = arith.constant 0 : i32
    %c0_i32_3 = arith.constant 0 : i32
    %c0_i32_4 = arith.constant 0 : i32
    return %add3A_2, %c0_i32, %c0_i32_3 : i32, i32, i32
  }
  func.func @transform_3(%arg0: i32, %arg1: memref<64xi32, #tpu.memory_space<smem>>, %arg2: memref<1xi32, #tpu.memory_space<smem>>) -> (i32, i32, i32) {
    %get3A = arith.index_cast %arg0 : i32 to index
    %get3A_0 = memref.load %arg1[%get3A] : memref<64xi32, #tpu.memory_space<smem>>
    %mul3A = arith.constant 2 : i32
    %mul3A_1 = arith.muli %get3A_0, %mul3A : i32
    %c0_i32 = arith.constant 0 : i32
    %c0_i32_2 = arith.constant 0 : i32
    %c0_i32_3 = arith.constant 0 : i32
    return %mul3A_1, %c0_i32, %c0_i32_2 : i32, i32, i32
  }
  func.func @transform_4(%arg0: i32, %arg1: memref<64xi32, #tpu.memory_space<smem>>, %arg2: memref<1xi32, #tpu.memory_space<smem>>) -> (i32, i32, i32) {
    %get3A = arith.index_cast %arg0 : i32 to index
    %get3A_0 = memref.load %arg1[%get3A] : memref<64xi32, #tpu.memory_space<smem>>
    %mul3A = arith.constant 2 : i32
    %mul3A_1 = arith.muli %get3A_0, %mul3A : i32
    %add3A = arith.constant 1 : i32
    %add3A_2 = arith.addi %mul3A_1, %add3A : i32
    %c0_i32 = arith.constant 0 : i32
    %c0_i32_3 = arith.constant 0 : i32
    %c0_i32_4 = arith.constant 0 : i32
    return %add3A_2, %c0_i32, %c0_i32_3 : i32, i32, i32
  }
  func.func @transform_5(%arg0: i32, %arg1: memref<64xi32, #tpu.memory_space<smem>>, %arg2: memref<1xi32, #tpu.memory_space<smem>>) -> (i32, i32) {
    %c0_i32 = arith.constant 0 : i32
    %c0_i32_0 = arith.constant 0 : i32
    return %arg0, %c0_i32 : i32, i32
  }
  func.func @transform_6(%arg0: i32, %arg1: memref<64xi32, #tpu.memory_space<smem>>, %arg2: memref<1xi32, #tpu.memory_space<smem>>) -> (i32, i32) {
    %c0_i32 = arith.constant 0 : i32
    %c0_i32_0 = arith.constant 0 : i32
    return %arg0, %c0_i32 : i32, i32
  }
}

</mosaic_0001>

<sc_bundles>
// kernel: kernel.5.cloned.1.call-start
scs
__scs_entry_jumppad:
0x0: {  	(pc) =	sbr.rel $0x88, $3  }
0x1: {  	(tag) =	ssettag $0x0;
	lr =	simm.s32 $0x1  }
0x2: {  	[smem:$0x3F9C] =	sst lr;
	_ =	strace $0xD0000000  }
0x3: {  	_ = 	snop  }
0x4: {  	_ = 	snop  }
0x5: {  	_ = 	snop  }
0x6: {  	_ = 	snop  }
0x7: {  	_ = 	snop  }
__scs_overlays_trampoline_lowered:
0x8: {  	[smem:$0x3FAB] =	sst s0  }
0x9: {  	[smem:$0x3FAC] =	sst s1  }
0xa: {  	[smem:$0x3FAD] =	sst s2  }
0xb: {  	[smem:$0x3FAE] =	sst s3  }
0xc: {  	[smem:$0x3FAF] =	sst s4  }
0xd: {  	[smem:$0x3FB0] =	sst s5  }
0xe: {  	[smem:$0x3FB1] =	sst s6  }
0xf: {  	[smem:$0x3FB2] =	sst s7  }
0x10: {  	[smem:$0x3FB3] =	sst s8  }
0x11: {  	[smem:$0x3FB4] =	sst s9;
	s0 =	simm.s32 @!p0 $0x0  }
0x12: {  	s1 =	sld [smem:$0x3F9A];
	s0 =	simm.s32 @p0 $0x1  }
0x13: {  	[smem:$0x3FB5] =	sst s0;
	s0 =	simm.s32 @!p1 $0x0  }
0x14: {  	s2 =	sld [smem:$0x3F99];
	s0 =	simm.s32 @p1 $0x1  }
0x15: {  	[smem:$0x3FB6] =	sst s0;
	s0 =	simm.s32 @!p2 $0x0  }
0x16: {  	s3 =	sld [smem:$0x3FDB];
	s0 =	simm.s32 @p2 $0x1  }
0x17: {  	s4 =	simm.s32 $0x1BF5;
	[smem:$0x3FB8] =	sst s0  }
0x18: {  	s0 =	sld [smem:$0x3F9B];
	_ =	swait.ge [sflag:s4], $0x0  }
0x19: {  	s7 =	sld [smem:$0x3F9C]  }
0x1a: {  	s8 =	sadd.s32 $0xFFFFE003, lr  }
0x1b: {  	s9 =	sadd.s32 $0xFFFFFEF7, lr;
	s5 =	simm.s32 $0xFFFFFFFF;
	p2 =	slt.u32 s8, $0xFFFFF086  }
0x1c: {  	p1 =	slt.u32 s9, $0xF7A;
	s5 =	simm.s32 @!p2 $0x0  }
0x1d: {  	s5 =	simm.s32 @p1 $0x1;
	p0 =	seq.s32 s7, s2  }
0x1e: {  	s7 =	smul.u32 @!p0 $0xF7A, s2;
	p2 =	seq.s32 @!p0 s5, $0x0  }
0x1f: {  	s9 =	smul.u32 $0xF7A, s1;
	s8 =	simm.s32 @!p0 $0x1BF5;
	p2 =	por !p2, p0  }
0x20: {  	[sflag:s8] =	ssyncset.s32 @!p0 $0xFFFFF086;
	s6 =	sadd.s32 @!p0 s3, s7;
	s7 =	simm.s32 @!p0 $0x108  }
0x21: {  	s3 =	sadd.s32 s3, s9;
	s6 =	sadd.s32 @!p0 $0x88, s6;
	s7 =	simm.s32 @p2 $0x1082  }
0x22: {  	[simem:s7], [sflag:s8] =	dma.local @!p0 [hbm:s6], $0xF7A  }
0x23: {  	s9 =	sor.u32 $0xD0000000, s2;
	s6 =	simm.s32 $0x108;
	_ =	swait.ge @!p0 [sflag:s8], $0x0  }
0x24: {  	s3 =	sadd.s32 $0x88, s3;
	s6 =	simm.s32 @!p1 $0x1082;
	[sflag:s4] =	ssyncset.s32 $0xFFFFF086  }
0x25: {  	[simem:s6], [sflag:s4] =	dma.local [hbm:s3], $0xF7A  }
0x26: {  	[smem:$0x3F9C] =	sst s1;
	(tag) =	ssettag s2;
	_ =	strace s9  }
0x27: {  	s1 =	sld [smem:$0x3FAC]  }
0x28: {  	s2 =	sld [smem:$0x3FAD]  }
0x29: {  	s4 =	sld [smem:$0x3FAF]  }
0x2a: {  	p0 =	seq.s32 s5, $0x0;
	s5 =	sld [smem:$0x3FB0]  }
0x2b: {  	s6 =	sld [smem:$0x3FB1]  }
0x2c: {  	s7 =	sld [smem:$0x3FB2]  }
0x2d: {  	s3 =	simm.s32 $0x108;
	s8 =	sld [smem:$0x3FB3]  }
0x2e: {  	s3 =	simm.s32 @!p0 $0x1082;
	s9 =	sld [smem:$0x3FB4]  }
0x2f: {  	lr =	sadd.s32 s0, s3;
	s0 =	sld [smem:$0x3FAB]  }
0x30: {  	s3 =	sld [smem:$0x3FAE]  }
0x31: {  	[smem:$0x3FB7] =	sst s10  }
0x32: {  	s10 =	sld [smem:$0x3FB5];
	_ =	sdelay $0x3  }
0x33: {  	p0 =	seq.s32 s10, $0x1;
	s10 =	sld [smem:$0x3FB7];
	_ =	sdelay $0x3  }
0x34: {  	[smem:$0x3FB7] =	sst s10  }
0x35: {  	s10 =	sld [smem:$0x3FB6];
	_ =	sdelay $0x3  }
0x36: {  	p1 =	seq.s32 s10, $0x1;
	s10 =	sld [smem:$0x3FB7];
	_ =	sdelay $0x3  }
0x37: {  	[smem:$0x3FB7] =	sst s10  }
0x38: {  	s10 =	sld [smem:$0x3FB8]  }
0x39: {  	_ = 	snop;
	(pc) =	sbr.ind lr, $3  }
0x3a: {  	_ = 	snop  }
0x3b: {  	_ = 	snop  }
0x3c: {  	p2 =	seq.s32 s10, $0x1;
	s10 =	sld [smem:$0x3FB7]  }
0x3d: {  	_ =	shalt  }
0x3e: {  	_ =	shalt  }
0x3f: {  	_ =	shalt  }
0x40: {  	_ =	shalt  }
0x41: {  	_ =	shalt  }
0x42: {  	_ =	shalt  }
0x43: {  	_ =	shalt  }
0x44: {  	_ =	shalt  }
0x45: {  	_ =	shalt  }
0x46: {  	_ =	shalt  }
0x47: {  	_ =	shalt  }
0x48: {  	_ =	shalt  }
0x49: {  	_ =	shalt  }
0x4a: {  	_ =	shalt  }
0x4b: {  	_ =	shalt  }
0x4c: {  	_ =	shalt  }
0x4d: {  	_ =	shalt  }
0x4e: {  	_ =	shalt  }
0x4f: {  	_ =	shalt  }
0x50: {  	_ =	shalt  }
0x51: {  	_ =	shalt  }
0x52: {  	_ =	shalt  }
0x53: {  	_ =	shalt  }
0x54: {  	_ =	shalt  }
0x55: {  	_ =	shalt  }
0x56: {  	_ =	shalt  }
0x57: {  	_ =	shalt  }
0x58: {  	_ =	shalt  }
0x59: {  	_ =	shalt  }
0x5a: {  	_ =	shalt  }
0x5b: {  	_ =	shalt  }
0x5c: {  	_ =	shalt  }
0x5d: {  	_ =	shalt  }
0x5e: {  	_ =	shalt  }
0x5f: {  	_ =	shalt  }
0x60: {  	_ =	shalt  }
0x61: {  	_ =	shalt  }
0x62: {  	_ =	shalt  }
0x63: {  	_ =	shalt  }
0x64: {  	_ =	shalt  }
0x65: {  	_ =	shalt  }
0x66: {  	_ =	shalt  }
0x67: {  	_ =	shalt  }
0x68: {  	_ =	shalt  }
0x69: {  	_ =	shalt  }
0x6a: {  	_ =	shalt  }
0x6b: {  	_ =	shalt  }
0x6c: {  	_ =	shalt  }
0x6d: {  	_ =	shalt  }
0x6e: {  	_ =	shalt  }
0x6f: {  	_ =	shalt  }
0x70: {  	_ =	shalt  }
0x71: {  	_ =	shalt  }
0x72: {  	_ =	shalt  }
0x73: {  	_ =	shalt  }
0x74: {  	_ =	shalt  }
0x75: {  	_ =	shalt  }
0x76: {  	_ =	shalt  }
0x77: {  	_ =	shalt  }
0x78: {  	_ =	shalt  }
0x79: {  	_ =	shalt  }
0x7a: {  	_ =	shalt  }
0x7b: {  	_ =	shalt  }
0x7c: {  	_ =	shalt  }
0x7d: {  	_ =	shalt  }
0x7e: {  	_ =	shalt  }
0x7f: {  	_ =	shalt  }
0x80: {  	_ =	shalt  }
0x81: {  	_ =	shalt  }
0x82: {  	_ =	shalt  }
0x83: {  	_ =	shalt  }
0x84: {  	_ =	shalt  }
0x85: {  	_ =	shalt  }
0x86: {  	_ =	shalt  }
0x87: {  	_ =	shalt  }
.Lfunc_end0:
.L_simem_size_0:
called_computation_lowered:
.L_overlay_start_0:
0x88: {  	s2 =	sld [smem:$0x3FD9]  }
0x89: {  	s3 =	sld [smem:$0x3FFE];
	_ =	sdelay $0x1  }
0x8a: {  	s1 =	srdreg.scid  }
0x8b: {  	s0 =	sand.u32 $0x1, s1  }
0x8c: {  	s14 =	sshll.u32 s0, $0xA;
	s2 =	sadd.s32 s3, s2  }
0x8d: {  	s2 =	sadd.s32 s2, s14  }
0x8e: {  	[smem:$0x3FC3] =	sst s2  }
0x8f: {  	_ = 	snop  }
0x90: {  	s2 =	sld [smem:$0x3FD0];
	_ =	sdelay $0x2  }
0x91: {  	s15 =	simm.s32 $0xA;
	s4 =	simm.s32 $0x10  }
0x92: {  	[smem:s4], [sflag:s15] =	dma.local [hbm:s2], $0x1  }
0x93: {  	_ =	swait.eq [sflag:s15], $0x1  }
0x94: {  	[sflag:s15] =	ssyncset.done $0x0  }
0x95: {  	[sflag:s15] =	ssyncadd.s32 $0xFFFFFFFF  }
0x96: {  	s16 =	sld [smem:$0x10];
	(tm) =	ssettm $0x1  }
0x97: {  	s17 =	sld [smem:$0x3FFB];
	_ =	sdelay $0x3  }
0x98: {  	_ =	strace s17  }
0x99: {  	s3 =	sld [smem:$0x3FFC];
	_ =	sdelay $0x3  }
0x9a: {  	_ =	strace s3  }
0x9b: {  	s3 =	sld [smem:$0x3FFD];
	_ =	sdelay $0x3  }
0x9c: {  	_ =	strace s3  }
0x9d: {  	_ =	strace $0x8FFFFFFF  }
0x9e: {  	s18 =	sld [smem:$0x3FDB];
	_ =	sdelay $0x1  }
0x9f: {  	s19 =	simm.s32 $_scs_section_size  }
0xa0: {  	s5 =	simm.s32 $_size__tile_overlayer_lowered;
	s6 =	simm.s32 $_tile_overlayer_lowered  }
0xa1: {  	s22 =	simm.s32 $0x1BFF;
	s21 =	sshll.u32 s6, $0x1;
	s3 =	sadd.s32 s19, s18  }
0xa2: {  	s7 =	simm.s32 $0x0;
	s20 =	sshll.u32 s5, $0x1;
	s5 =	sadd.s32 s21, s3  }
0xa3: {  	[timem:s7], [sflag:s22] =	dma.local [hbm:s5], s20  }
0xa4: {  	_ =	swait.ge [sflag:s22], s20  }
0xa5: {  	s4 =	ssub.s32 $0x0, s20;
	[sflag:s22] =	ssyncset.done $0x0  }
0xa6: {  	[sflag:s22] =	ssyncadd.s32 s4;
	_ =	sdelay $0x1  }
0xa7: {  	s23 =	simm.s32 $0x1B8B  }
0xa8: {  	_ =	swait.ge [sflag:s23], $0x1  }
0xa9: {  	[sflag:s23] =	ssyncset.done $0x0  }
0xaa: {  	s25 =	simm.s32 $0x1B8E;
	s24 =	sld [smem:$0x3FFE];
	[sflag:s23] =	ssyncadd.s32 $0xFFFFFFFF  }
0xab: {  	s26 =	simm.s32 $execute0_lowered;
	[smem:$0x3FD2] =	sst s25  }
0xac: {  	s5 =	sshll.u32 s26, $0x1;
	_ =	strace $0x80000046;
	[dreg:$0x1] =	wrdreg $0xFFFFFFFF  }
0xad: {  	s28 =	simm.s32 $_size_execute0_lowered;
	s3 =	sadd.s32 s3, s5;
	[dreg:$0x0] =	wrdreg $0x0  }
0xae: {  	s5 =	sshll.u32 s28, $0x1;
	[dreg:$0x2] =	wrdreg s3  }
0xaf: {  	[dreg:$0x3] =	wrdreg s5  }
0xb0: {  	[dreg:$0x4] =	wrdreg $0xC0  }
0xb1: {  	_ =	task [dreg:s7], $0x5FFFF  }
0xb2: {  	[dreg:$0x1] =	wrdreg $0xFFFFFFFF  }
0xb3: {  	[dreg:$0x0] =	wrdreg $0x60  }
0xb4: {  	[dreg:$0x2] =	wrdreg s16  }
0xb5: {  	[dreg:$0x3] =	wrdreg s24  }
0xb6: {  	[dreg:$0x4] =	wrdreg $0x9  }
0xb7: {  	_ =	task.clear_ibuf [dreg:s7], $0x5FFFF;
	_ =	strace $0x90000046  }
0xb8: {  	s29 =	simm.s32 $0x9;
	_ =	strace $0x80000048  }
0xb9: {  	_ =	swait.ge [sflag:s29], $0x1  }
0xba: {  	[sflag:s29] =	ssyncadd.s32 $0xFFFFFFFF  }
0xbb: {  	_ =	strace $0x90000048  }
0xbc: {  	_ =	sfence  }
0xbd: {  	s30 =	sld [smem:$0x0];
	_ =	sdelay $0x2  }
0xbe: {  	s31 =	sshll.u32 s1, $0xD;
	s1 =	sshrl.u32 s1, $0x2  }
0xbf: {  	s3 =	sand.u32 $0x4000, s31;
	s1 =	sadd.s32 s1, s30  }
0xc0: {  	s0 =	sor.u32 s3, s0;
	s1 =	sshll.u32 s1, $0x11  }
0xc1: {  	s0 =	sor.u32 s1, s0  }
0xc2: {  	s0 =	sadd.s32 $0x8F2B, s0  }
0xc3: {  	[sflag:s0] =	ssyncadd.remote.s32 $0x1  }
0xc4: {  	_ =	sfence.sel $0xFFFF  }
0xc5: {  	[dreg:$0x0] =	wrdreg $0xFFFFFFFF;
	(pc) =	sbr.abs _section_cstart, $3  }
0xc6: {  	[dreg:$0x1] =	wrdreg $0xFFFFFFFF  }
0xc7: {  	_ =	task.clear_ibuf [dreg:s7], $0x2FFFF;
	_ =	strace $0x9FFFFFFF  }
0xc8: {  	(tm) =	ssettm $0x7FFFFFFF  }
0xc9: {  	_ =	shalt  }
tec
execute0_lowered:
.L_overlay_start_1:
0x0: {  	(tag) =	ssettag $0x1  }
0x1: {  	s0 =	rddreg [dreg:$0x0]  }
0x2: {  	s1 =	rddreg [dreg:$0x1];
	s2 =	simm.s32 $0x0  }
0x3: {  	s3 =	srdreg.scid;
	s4 =	stileid.u32;
	s28 =	simm.s32 $0x1880  }
0x4: {  	s29 =	simm.s32 $0x2080;
	s30 =	simm.s32 $0x2880;
	s31 =	simm.s32 $0x3080  }
0x5: {  	s12 =	simm.s32 $0x4880;
	s13 =	simm.s32 $0x5080;
	s14 =	simm.s32 $0x5880  }
0x6: {  	s15 =	simm.s32 $0x6080;
	s16 =	simm.s32 $0x6880;
	s17 =	simm.s32 $0x7080  }
0x7: {  	s18 =	simm.s32 $0x7880;
	[smem:$0x7FF] =	sst s2;
	s5 =	sand.u32 $0x1, s3  }
0x8: {  	s7 =	sadd.s32 $0x1C00, s1;
	s4 =	sshll.u32 s4, $0x8;
	s8 =	sadd.s32 $0x11C00, s1  }
0x9: {  	s3 =	sadd.s32 $0x25E00, s1;
	s19 =	sadd.s32 $0x11E00, s1;
	_ =	strace $0x80000047  }
0xa: {  	s6 =	sshll.u32 s5, $0x7;
	[dreg:$0x9] =	wrdreg s19;
	s5 =	ssub.s32 $0x2, s5  }
0xb: {  	s19 =	simm.s32 $0x8080;
	s6 =	sor.u32 s6, s4;
	s10 =	sshrl.u32 s5, $0x1  }
0xc: {  	s4 =	simm.s32 $0xA080;
	s9 =	sshrl.u32 s6, $0x3;
	s11 =	sshll.u32 s6, $0x7  }
0xd: {  	s21 =	sshll.u32 s6, $0x4;
	s6 =	sor.u32 $0x40, s6;
	s10 =	ssub.s32 s5, s10  }
0xe: {  	s5 =	sadd.s32 $0x25F00, s1;
	s9 =	sadd.s32 s8, s9;
	s20 =	sadd.s32 s0, s11  }
0xf: {  	s22 =	sadd.s32 s7, s21;
	s23 =	sshrl.u32 s6, $0x3;
	[dreg:$0x3] =	wrdreg s9  }
0x10: {  	s24 =	sshll.u32 s6, $0x7;
	s25 =	sshll.u32 s6, $0x4;
	[dreg:$0x4] =	wrdreg s20  }
0x11: {  	s6 =	sadd.s32 $0x26000, s1;
	s21 =	simm.s32 $0x9080;
	[dreg:$0x5] =	wrdreg s22  }
0x12: {  	s8 =	sadd.s32 s8, s23;
	s0 =	sadd.s32 s0, s24;
	s26 =	sadd.s32 s7, s25  }
0x13: {  	s7 =	sadd.s32 $0x26100, s1;
	s9 =	simm.s32 $0x2;
	[dreg:$0x6] =	wrdreg s8  }
0x14: {  	v2 =	vlaneseq.u32;
	s22 =	simm.s32 $0x1;
	s25 =	simm.s32 $0x880;
	[dreg:$0x7] =	wrdreg s0  }
0x15: {  	vm0 =	vmmov $0xffff;
	v1 =	vshrl.u32 v2, $0x3;
	s20 =	simm.s32 $0x8880;
	s23 =	simm.s32 $0x9880;
	[dreg:$0x8] =	wrdreg s26  }
0x16: {  	v0 =	vand.u32 $0x7, v2;
	v2 =	vor.u32 $0x8, v2;
	v1 =	vmul.u32 $0x8, v1;
	s8 =	smax.u32 s10, $0x1;
	s0 =	simm.s32 $0x10080;
	s26 =	simm.s32 $0x1080  }
.LBB2_1:
0x17: {  	s24 =	rddreg [dreg:$0x3]  }
0x18: {  	[tilespmem:s2], [sflag:$0x2] =	stream.linear.gather [hbm4b:s24+s2], $0x40, $0x38;
	[tilespmem:$0x12080] =	vst v63  }
0x19: {  	_ =	swait.ge [sflag:s9], $0x40  }
0x1a: {  	[sflag:s9] =	ssyncset.done $0x0  }
0x1b: {  	s11 =	simm.s32 $0x80;
	s1 =	rddreg [dreg:$0x4];
	[sflag:s9] =	ssyncadd.s32 $0xFFFFFFC0  }
0x1c: {  	[tilespmem:s11], [sflag:$0x2] =	stream.linear.gather [hbm4b:s1+s2], $0x10000, $0x38;
	[tilespmem:$0x12080] =	vst v63  }
0x1d: {  	_ =	swait.ge [sflag:s9], $0x10000  }
0x1e: {  	[sflag:s9] =	ssyncset.done $0x0  }
0x1f: {  	s10 =	rddreg [dreg:$0x5];
	[sflag:s9] =	ssyncadd.s32 $0xFFFF0000  }
0x20: {  	[tilespmem:s0], [sflag:$0x2] =	stream.linear.gather [hbm4b:s10+s2], $0x2000, $0x38;
	[tilespmem:$0x12080] =	vst v63  }
0x21: {  	_ =	swait.ge [sflag:s9], $0x2000  }
0x22: {  	[sflag:s9] =	ssyncset.done $0x0  }
0x23: {  	[sflag:s9] =	ssyncadd.s32 $0xFFFFE000  }
0x24: {  	v3 =	vld [tilespmem:$0x0];
	_ =	sdelay $0x4  }
0x25: {  	v4 =	vshll.u32 v3, $0x3  }
0x26: {  	v3 =	vand.u32 $0x7, v3;
	v4 =	vand.u32 $0xFFFFFFC0, v4  }
0x27: {  	v3 =	vor.u32 v3, v4  }
0x28: {  	v4 =	vperm.xlane v3, v0;
	_ =	sdelay $0x1  }
0x29: {  	v4 =	vadd.s32 v1, v4;
	_ =	sdelay $0x4  }
0x2a: {  	[hbm4b:s3+s2] =	stream.indirect_vreg.scatter [tilespmem:s11], [sflag:$0x1], $0x80, v4, vm0, $0xb8;
	[tilespmem:$0x12080] =	vst v63  }
0x2b: {  	v3 =	vperm.xlane v3, v2  }
0x2c: {  	[hbm4b:s5+s2] =	stream.indirect_vreg.scatter [tilespmem:s25], [sflag:$0x1], $0x80, v4, vm0, $0xb8;
	[tilespmem:$0x12080] =	vst v63  }
0x2d: {  	v3 =	vadd.s32 v1, v3  }
0x2e: {  	[hbm4b:s6+s2] =	stream.indirect_vreg.scatter [tilespmem:s26], [sflag:$0x1], $0x80, v4, vm0, $0xb8;
	[tilespmem:$0x12080] =	vst v63  }
0x2f: {  	_ = 	snop  }
0x30: {  	[hbm4b:s7+s2] =	stream.indirect_vreg.scatter [tilespmem:s28], [sflag:$0x1], $0x80, v4, vm0, $0xb8;
	[tilespmem:$0x12080] =	vst v63  }
0x31: {  	_ = 	snop  }
0x32: {  	[hbm4b:s3+s2] =	stream.indirect_vreg.scatter [tilespmem:s29], [sflag:$0x1], $0x80, v3, vm0, $0xb8;
	[tilespmem:$0x12080] =	vst v63  }
0x33: {  	_ = 	snop  }
0x34: {  	[hbm4b:s5+s2] =	stream.indirect_vreg.scatter [tilespmem:s30], [sflag:$0x1], $0x80, v3, vm0, $0xb8;
	[tilespmem:$0x12080] =	vst v63  }
0x35: {  	_ = 	snop  }
0x36: {  	[hbm4b:s6+s2] =	stream.indirect_vreg.scatter [tilespmem:s31], [sflag:$0x1], $0x80, v3, vm0, $0xb8;
	[tilespmem:$0x12080] =	vst v63  }
0x37: {  	s1 =	simm.s32 $0x3880  }
0x38: {  	[hbm4b:s7+s2] =	stream.indirect_vreg.scatter [tilespmem:s1], [sflag:$0x1], $0x80, v3, vm0, $0xb8;
	[tilespmem:$0x12080] =	vst v63  }
0x39: {  	v3 =	vld [tilespmem:$0x10];
	_ =	sdelay $0x4  }
0x3a: {  	v57 =	vshll.u32 v3, $0x3  }
0x3b: {  	v3 =	vand.u32 $0x7, v3;
	v4 =	vand.u32 $0xFFFFFFC0, v57  }
0x3c: {  	v3 =	vor.u32 v3, v4  }
0x3d: {  	v4 =	vperm.xlane v3, v0;
	_ =	sdelay $0x1  }
0x3e: {  	v4 =	vadd.s32 v1, v4;
	_ =	sdelay $0x3  }
0x3f: {  	s1 =	simm.s32 $0x4080  }
0x40: {  	[hbm4b:s3+s2] =	stream.indirect_vreg.scatter [tilespmem:s1], [sflag:$0x1], $0x80, v4, vm0, $0xb8;
	[tilespmem:$0x12080] =	vst v63  }
0x41: {  	v3 =	vperm.xlane v3, v2  }
0x42: {  	[hbm4b:s5+s2] =	stream.indirect_vreg.scatter [tilespmem:s12], [sflag:$0x1], $0x80, v4, vm0, $0xb8;
	[tilespmem:$0x12080] =	vst v63  }
0x43: {  	v3 =	vadd.s32 v1, v3  }
0x44: {  	[hbm4b:s6+s2] =	stream.indirect_vreg.scatter [tilespmem:s13], [sflag:$0x1], $0x80, v4, vm0, $0xb8;
	[tilespmem:$0x12080] =	vst v63  }
0x45: {  	_ = 	snop  }
0x46: {  	[hbm4b:s7+s2] =	stream.indirect_vreg.scatter [tilespmem:s14], [sflag:$0x1], $0x80, v4, vm0, $0xb8;
	[tilespmem:$0x12080] =	vst v63  }
0x47: {  	_ = 	snop  }
0x48: {  	[hbm4b:s3+s2] =	stream.indirect_vreg.scatter [tilespmem:s15], [sflag:$0x1], $0x80, v3, vm0, $0xb8;
	[tilespmem:$0x12080] =	vst v63  }
0x49: {  	_ = 	snop  }
0x4a: {  	[hbm4b:s5+s2] =	stream.indirect_vreg.scatter [tilespmem:s16], [sflag:$0x1], $0x80, v3, vm0, $0xb8;
	[tilespmem:$0x12080] =	vst v63  }
0x4b: {  	_ = 	snop  }
0x4c: {  	[hbm4b:s6+s2] =	stream.indirect_vreg.scatter [tilespmem:s17], [sflag:$0x1], $0x80, v3, vm0, $0xb8;
	[tilespmem:$0x12080] =	vst v63  }
0x4d: {  	_ = 	snop  }
0x4e: {  	[hbm4b:s7+s2] =	stream.indirect_vreg.scatter [tilespmem:s18], [sflag:$0x1], $0x80, v3, vm0, $0xb8;
	[tilespmem:$0x12080] =	vst v63  }
0x4f: {  	v3 =	vld [tilespmem:$0x20];
	_ =	sdelay $0x4  }
0x50: {  	v58 =	vshll.u32 v3, $0x3  }
0x51: {  	v3 =	vand.u32 $0x7, v3;
	v4 =	vand.u32 $0xFFFFFFC0, v58  }
0x52: {  	v3 =	vor.u32 v3, v4  }
0x53: {  	v4 =	vperm.xlane v3, v0;
	_ =	sdelay $0x1  }
0x54: {  	v4 =	vadd.s32 v1, v4;
	_ =	sdelay $0x4  }
0x55: {  	[hbm4b:s3+s2] =	stream.indirect_vreg.scatter [tilespmem:s19], [sflag:$0x1], $0x80, v4, vm0, $0xb8;
	[tilespmem:$0x12080] =	vst v63  }
0x56: {  	v3 =	vperm.xlane v3, v2  }
0x57: {  	[hbm4b:s5+s2] =	stream.indirect_vreg.scatter [tilespmem:s20], [sflag:$0x1], $0x80, v4, vm0, $0xb8;
	[tilespmem:$0x12080] =	vst v63  }
0x58: {  	v3 =	vadd.s32 v1, v3  }
0x59: {  	[hbm4b:s6+s2] =	stream.indirect_vreg.scatter [tilespmem:s21], [sflag:$0x1], $0x80, v4, vm0, $0xb8;
	[tilespmem:$0x12080] =	vst v63  }
0x5a: {  	_ = 	snop  }
0x5b: {  	[hbm4b:s7+s2] =	stream.indirect_vreg.scatter [tilespmem:s23], [sflag:$0x1], $0x80, v4, vm0, $0xb8;
	[tilespmem:$0x12080] =	vst v63  }
0x5c: {  	_ = 	snop  }
0x5d: {  	[hbm4b:s3+s2] =	stream.indirect_vreg.scatter [tilespmem:s4], [sflag:$0x1], $0x80, v3, vm0, $0xb8;
	[tilespmem:$0x12080] =	vst v63  }
0x5e: {  	s10 =	simm.s32 $0xA880  }
0x5f: {  	[hbm4b:s5+s2] =	stream.indirect_vreg.scatter [tilespmem:s10], [sflag:$0x1], $0x80, v3, vm0, $0xb8;
	[tilespmem:$0x12080] =	vst v63  }
0x60: {  	s24 =	simm.s32 $0xB080  }
0x61: {  	[hbm4b:s6+s2] =	stream.indirect_vreg.scatter [tilespmem:s24], [sflag:$0x1], $0x80, v3, vm0, $0xb8;
	[tilespmem:$0x12080] =	vst v63  }
0x62: {  	s24 =	simm.s32 $0xB880  }
0x63: {  	[hbm4b:s7+s2] =	stream.indirect_vreg.scatter [tilespmem:s24], [sflag:$0x1], $0x80, v3, vm0, $0xb8;
	[tilespmem:$0x12080] =	vst v63  }
0x64: {  	v3 =	vld [tilespmem:$0x30];
	_ =	sdelay $0x4  }
0x65: {  	v59 =	vshll.u32 v3, $0x3  }
0x66: {  	v3 =	vand.u32 $0x7, v3;
	v4 =	vand.u32 $0xFFFFFFC0, v59  }
0x67: {  	v3 =	vor.u32 v3, v4  }
0x68: {  	v4 =	vperm.xlane v3, v0;
	_ =	sdelay $0x1  }
0x69: {  	v4 =	vadd.s32 v1, v4;
	_ =	sdelay $0x3  }
0x6a: {  	s24 =	simm.s32 $0xC080  }
0x6b: {  	[hbm4b:s3+s2] =	stream.indirect_vreg.scatter [tilespmem:s24], [sflag:$0x1], $0x80, v4, vm0, $0xb8;
	[tilespmem:$0x12080] =	vst v63  }
0x6c: {  	v3 =	vperm.xlane v3, v2;
	s24 =	simm.s32 $0xC880  }
0x6d: {  	[hbm4b:s5+s2] =	stream.indirect_vreg.scatter [tilespmem:s24], [sflag:$0x1], $0x80, v4, vm0, $0xb8;
	[tilespmem:$0x12080] =	vst v63  }
0x6e: {  	v3 =	vadd.s32 v1, v3;
	s24 =	simm.s32 $0xD080  }
0x6f: {  	[hbm4b:s6+s2] =	stream.indirect_vreg.scatter [tilespmem:s24], [sflag:$0x1], $0x80, v4, vm0, $0xb8;
	[tilespmem:$0x12080] =	vst v63  }
0x70: {  	s24 =	simm.s32 $0xD880  }
0x71: {  	[hbm4b:s7+s2] =	stream.indirect_vreg.scatter [tilespmem:s24], [sflag:$0x1], $0x80, v4, vm0, $0xb8;
	[tilespmem:$0x12080] =	vst v63  }
0x72: {  	s24 =	simm.s32 $0xE080  }
0x73: {  	[hbm4b:s3+s2] =	stream.indirect_vreg.scatter [tilespmem:s24], [sflag:$0x1], $0x80, v3, vm0, $0xb8;
	[tilespmem:$0x12080] =	vst v63  }
0x74: {  	s24 =	simm.s32 $0xE880  }
0x75: {  	[hbm4b:s5+s2] =	stream.indirect_vreg.scatter [tilespmem:s24], [sflag:$0x1], $0x80, v3, vm0, $0xb8;
	[tilespmem:$0x12080] =	vst v63  }
0x76: {  	s24 =	simm.s32 $0xF080  }
0x77: {  	[hbm4b:s6+s2] =	stream.indirect_vreg.scatter [tilespmem:s24], [sflag:$0x1], $0x80, v3, vm0, $0xb8;
	[tilespmem:$0x12080] =	vst v63  }
0x78: {  	s24 =	simm.s32 $0xF880  }
0x79: {  	[hbm4b:s7+s2] =	stream.indirect_vreg.scatter [tilespmem:s24], [sflag:$0x1], $0x80, v3, vm0, $0xb8;
	[tilespmem:$0x12080] =	vst v63  }
0x7a: {  	_ =	swait.ge [sflag:s22], $0x10000  }
0x7b: {  	[sflag:s22] =	ssyncset.done $0x0  }
0x7c: {  	s24 =	simm.s32 $0x40;
	s10 =	rddreg [dreg:$0x9];
	[sflag:s22] =	ssyncadd.s32 $0xFFFF0000  }
0x7d: {  	[hbm4b:s10+s24] =	stream.indirect.scatter [tilespmem:s0], [sflag:$0x1], $0x80, s2, s24, $0xb8;
	[tilespmem:$0x12080] =	vst v63  }
0x7e: {  	_ =	swait.ge [sflag:s22], $0x2000  }
0x7f: {  	[sflag:s22] =	ssyncset.done $0x0  }
0x80: {  	s24 =	rddreg [dreg:$0x6];
	[sflag:s22] =	ssyncadd.s32 $0xFFFFE000  }
0x81: {  	[tilespmem:s2], [sflag:$0x2] =	stream.linear.gather [hbm4b:s24+s2], $0x40, $0x38;
	[tilespmem:$0x12080] =	vst v63  }
0x82: {  	_ =	swait.ge [sflag:s9], $0x40  }
0x83: {  	[sflag:s9] =	ssyncset.done $0x0  }
0x84: {  	s24 =	rddreg [dreg:$0x7];
	[sflag:s9] =	ssyncadd.s32 $0xFFFFFFC0  }
0x85: {  	[tilespmem:s11], [sflag:$0x2] =	stream.linear.gather [hbm4b:s24+s2], $0x10000, $0x38;
	[tilespmem:$0x12080] =	vst v63  }
0x86: {  	_ =	swait.ge [sflag:s9], $0x10000  }
0x87: {  	[sflag:s9] =	ssyncset.done $0x0  }
0x88: {  	s24 =	rddreg [dreg:$0x8];
	[sflag:s9] =	ssyncadd.s32 $0xFFFF0000  }
0x89: {  	[tilespmem:s0], [sflag:$0x2] =	stream.linear.gather [hbm4b:s24+s2], $0x2000, $0x38;
	[tilespmem:$0x12080] =	vst v63  }
0x8a: {  	_ =	swait.ge [sflag:s9], $0x2000  }
0x8b: {  	[sflag:s9] =	ssyncset.done $0x0  }
0x8c: {  	[sflag:s9] =	ssyncadd.s32 $0xFFFFE000  }
0x8d: {  	v3 =	vld [tilespmem:$0x0];
	_ =	sdelay $0x4  }
0x8e: {  	v60 =	vshll.u32 v3, $0x3  }
0x8f: {  	v3 =	vand.u32 $0x7, v3;
	v4 =	vand.u32 $0xFFFFFFC0, v60  }
0x90: {  	v3 =	vor.u32 v3, v4  }
0x91: {  	v4 =	vperm.xlane v3, v0;
	_ =	sdelay $0x1  }
0x92: {  	v4 =	vadd.s32 v1, v4;
	_ =	sdelay $0x4  }
0x93: {  	[hbm4b:s3+s2] =	stream.indirect_vreg.scatter [tilespmem:s11], [sflag:$0x1], $0x80, v4, vm0, $0xb8;
	[tilespmem:$0x12080] =	vst v63  }
0x94: {  	v3 =	vperm.xlane v3, v2  }
0x95: {  	[hbm4b:s5+s2] =	stream.indirect_vreg.scatter [tilespmem:s25], [sflag:$0x1], $0x80, v4, vm0, $0xb8;
	[tilespmem:$0x12080] =	vst v63  }
0x96: {  	v3 =	vadd.s32 v1, v3  }
0x97: {  	[hbm4b:s6+s2] =	stream.indirect_vreg.scatter [tilespmem:s26], [sflag:$0x1], $0x80, v4, vm0, $0xb8;
	[tilespmem:$0x12080] =	vst v63  }
0x98: {  	_ = 	snop  }
0x99: {  	[hbm4b:s7+s2] =	stream.indirect_vreg.scatter [tilespmem:s28], [sflag:$0x1], $0x80, v4, vm0, $0xb8;
	[tilespmem:$0x12080] =	vst v63  }
0x9a: {  	_ = 	snop  }
0x9b: {  	[hbm4b:s3+s2] =	stream.indirect_vreg.scatter [tilespmem:s29], [sflag:$0x1], $0x80, v3, vm0, $0xb8;
	[tilespmem:$0x12080] =	vst v63  }
0x9c: {  	_ = 	snop  }
0x9d: {  	[hbm4b:s5+s2] =	stream.indirect_vreg.scatter [tilespmem:s30], [sflag:$0x1], $0x80, v3, vm0, $0xb8;
	[tilespmem:$0x12080] =	vst v63  }
0x9e: {  	_ = 	snop  }
0x9f: {  	[hbm4b:s6+s2] =	stream.indirect_vreg.scatter [tilespmem:s31], [sflag:$0x1], $0x80, v3, vm0, $0xb8;
	[tilespmem:$0x12080] =	vst v63  }
0xa0: {  	s24 =	simm.s32 $0x3880  }
0xa1: {  	[hbm4b:s7+s2] =	stream.indirect_vreg.scatter [tilespmem:s24], [sflag:$0x1], $0x80, v3, vm0, $0xb8;
	[tilespmem:$0x12080] =	vst v63  }
0xa2: {  	v3 =	vld [tilespmem:$0x10];
	_ =	sdelay $0x4  }
0xa3: {  	v61 =	vshll.u32 v3, $0x3  }
0xa4: {  	v3 =	vand.u32 $0x7, v3;
	v4 =	vand.u32 $0xFFFFFFC0, v61  }
0xa5: {  	v3 =	vor.u32 v3, v4  }
0xa6: {  	v4 =	vperm.xlane v3, v0;
	_ =	sdelay $0x1  }
0xa7: {  	v4 =	vadd.s32 v1, v4;
	_ =	sdelay $0x4  }
0xa8: {  	[hbm4b:s3+s2] =	stream.indirect_vreg.scatter [tilespmem:s1], [sflag:$0x1], $0x80, v4, vm0, $0xb8;
	[tilespmem:$0x12080] =	vst v63  }
0xa9: {  	v3 =	vperm.xlane v3, v2  }
0xaa: {  	[hbm4b:s5+s2] =	stream.indirect_vreg.scatter [tilespmem:s12], [sflag:$0x1], $0x80, v4, vm0, $0xb8;
	[tilespmem:$0x12080] =	vst v63  }
0xab: {  	v3 =	vadd.s32 v1, v3  }
0xac: {  	[hbm4b:s6+s2] =	stream.indirect_vreg.scatter [tilespmem:s13], [sflag:$0x1], $0x80, v4, vm0, $0xb8;
	[tilespmem:$0x12080] =	vst v63  }
0xad: {  	_ = 	snop  }
0xae: {  	[hbm4b:s7+s2] =	stream.indirect_vreg.scatter [tilespmem:s14], [sflag:$0x1], $0x80, v4, vm0, $0xb8;
	[tilespmem:$0x12080] =	vst v63  }
0xaf: {  	_ = 	snop  }
0xb0: {  	[hbm4b:s3+s2] =	stream.indirect_vreg.scatter [tilespmem:s15], [sflag:$0x1], $0x80, v3, vm0, $0xb8;
	[tilespmem:$0x12080] =	vst v63  }
0xb1: {  	_ = 	snop  }
0xb2: {  	[hbm4b:s5+s2] =	stream.indirect_vreg.scatter [tilespmem:s16], [sflag:$0x1], $0x80, v3, vm0, $0xb8;
	[tilespmem:$0x12080] =	vst v63  }
0xb3: {  	_ = 	snop  }
0xb4: {  	[hbm4b:s6+s2] =	stream.indirect_vreg.scatter [tilespmem:s17], [sflag:$0x1], $0x80, v3, vm0, $0xb8;
	[tilespmem:$0x12080] =	vst v63  }
0xb5: {  	_ = 	snop  }
0xb6: {  	[hbm4b:s7+s2] =	stream.indirect_vreg.scatter [tilespmem:s18], [sflag:$0x1], $0x80, v3, vm0, $0xb8;
	[tilespmem:$0x12080] =	vst v63  }
0xb7: {  	v3 =	vld [tilespmem:$0x20];
	_ =	sdelay $0x4  }
0xb8: {  	v62 =	vshll.u32 v3, $0x3  }
0xb9: {  	v3 =	vand.u32 $0x7, v3;
	v4 =	vand.u32 $0xFFFFFFC0, v62  }
0xba: {  	v3 =	vor.u32 v3, v4  }
0xbb: {  	v4 =	vperm.xlane v3, v0;
	_ =	sdelay $0x1  }
0xbc: {  	v4 =	vadd.s32 v1, v4;
	_ =	sdelay $0x4  }
0xbd: {  	[hbm4b:s3+s2] =	stream.indirect_vreg.scatter [tilespmem:s19], [sflag:$0x1], $0x80, v4, vm0, $0xb8;
	[tilespmem:$0x12080] =	vst v63  }
0xbe: {  	v3 =	vperm.xlane v3, v2  }
0xbf: {  	[hbm4b:s5+s2] =	stream.indirect_vreg.scatter [tilespmem:s20], [sflag:$0x1], $0x80, v4, vm0, $0xb8;
	[tilespmem:$0x12080] =	vst v63  }
0xc0: {  	v3 =	vadd.s32 v1, v3  }
0xc1: {  	[hbm4b:s6+s2] =	stream.indirect_vreg.scatter [tilespmem:s21], [sflag:$0x1], $0x80, v4, vm0, $0xb8;
	[tilespmem:$0x12080] =	vst v63  }
0xc2: {  	_ = 	snop  }
0xc3: {  	[hbm4b:s7+s2] =	stream.indirect_vreg.scatter [tilespmem:s23], [sflag:$0x1], $0x80, v4, vm0, $0xb8;
	[tilespmem:$0x12080] =	vst v63  }
0xc4: {  	_ = 	snop  }
0xc5: {  	[hbm4b:s3+s2] =	stream.indirect_vreg.scatter [tilespmem:s4], [sflag:$0x1], $0x80, v3, vm0, $0xb8;
	[tilespmem:$0x12080] =	vst v63  }
0xc6: {  	s11 =	simm.s32 $0xA880  }
0xc7: {  	[hbm4b:s5+s2] =	stream.indirect_vreg.scatter [tilespmem:s11], [sflag:$0x1], $0x80, v3, vm0, $0xb8;
	[tilespmem:$0x12080] =	vst v63  }
0xc8: {  	s24 =	simm.s32 $0xB080  }
0xc9: {  	[hbm4b:s6+s2] =	stream.indirect_vreg.scatter [tilespmem:s24], [sflag:$0x1], $0x80, v3, vm0, $0xb8;
	[tilespmem:$0x12080] =	vst v63  }
0xca: {  	s11 =	simm.s32 $0xB880  }
0xcb: {  	[hbm4b:s7+s2] =	stream.indirect_vreg.scatter [tilespmem:s11], [sflag:$0x1], $0x80, v3, vm0, $0xb8;
	[tilespmem:$0x12080] =	vst v63  }
0xcc: {  	v3 =	vld [tilespmem:$0x30];
	_ =	sdelay $0x4  }
0xcd: {  	v63 =	vshll.u32 v3, $0x3  }
0xce: {  	v3 =	vand.u32 $0x7, v3;
	v4 =	vand.u32 $0xFFFFFFC0, v63  }
0xcf: {  	v3 =	vor.u32 v3, v4  }
0xd0: {  	v4 =	vperm.xlane v3, v0;
	_ =	sdelay $0x1  }
0xd1: {  	v4 =	vadd.s32 v1, v4;
	_ =	sdelay $0x3  }
0xd2: {  	s24 =	simm.s32 $0xC080  }
0xd3: {  	[hbm4b:s3+s2] =	stream.indirect_vreg.scatter [tilespmem:s24], [sflag:$0x1], $0x80, v4, vm0, $0xb8;
	[tilespmem:$0x12080] =	vst v63  }
0xd4: {  	s11 =	simm.s32 $0xC880;
	v3 =	vperm.xlane v3, v2  }
0xd5: {  	[hbm4b:s5+s2] =	stream.indirect_vreg.scatter [tilespmem:s11], [sflag:$0x1], $0x80, v4, vm0, $0xb8;
	[tilespmem:$0x12080] =	vst v63  }
0xd6: {  	v3 =	vadd.s32 v1, v3;
	s24 =	simm.s32 $0xD080  }
0xd7: {  	[hbm4b:s6+s2] =	stream.indirect_vreg.scatter [tilespmem:s24], [sflag:$0x1], $0x80, v4, vm0, $0xb8;
	[tilespmem:$0x12080] =	vst v63  }
0xd8: {  	s11 =	simm.s32 $0xD880  }
0xd9: {  	[hbm4b:s7+s2] =	stream.indirect_vreg.scatter [tilespmem:s11], [sflag:$0x1], $0x80, v4, vm0, $0xb8;
	[tilespmem:$0x12080] =	vst v63  }
0xda: {  	s24 =	simm.s32 $0xE080  }
0xdb: {  	[hbm4b:s3+s2] =	stream.indirect_vreg.scatter [tilespmem:s24], [sflag:$0x1], $0x80, v3, vm0, $0xb8;
	[tilespmem:$0x12080] =	vst v63  }
0xdc: {  	s11 =	simm.s32 $0xE880  }
0xdd: {  	[hbm4b:s5+s2] =	stream.indirect_vreg.scatter [tilespmem:s11], [sflag:$0x1], $0x80, v3, vm0, $0xb8;
	[tilespmem:$0x12080] =	vst v63  }
0xde: {  	s24 =	simm.s32 $0xF080  }
0xdf: {  	[hbm4b:s6+s2] =	stream.indirect_vreg.scatter [tilespmem:s24], [sflag:$0x1], $0x80, v3, vm0, $0xb8;
	[tilespmem:$0x12080] =	vst v63  }
0xe0: {  	s11 =	simm.s32 $0xF880  }
0xe1: {  	[hbm4b:s7+s2] =	stream.indirect_vreg.scatter [tilespmem:s11], [sflag:$0x1], $0x80, v3, vm0, $0xb8;
	[tilespmem:$0x12080] =	vst v63  }
0xe2: {  	_ =	swait.ge [sflag:s22], $0x10000  }
0xe3: {  	p0 =	sne.s32 s8, $0x1;
	[sflag:s22] =	ssyncset.done $0x0  }
.Ltmp0:
0xe4: {  	s24 =	simm.s32 $0x40;
	[sflag:s22] =	ssyncadd.s32 $0xFFFF0000;
	(pc) =	sbr.rel @p0 .LBB2_1-.Ltmp0, $4  }
0xe5: {  	[hbm4b:s10+s24] =	stream.indirect.scatter [tilespmem:s0], [sflag:$0x1], $0x80, s2, s24, $0xb8;
	[tilespmem:$0x12080] =	vst v63  }
0xe6: {  	_ =	swait.ge [sflag:s22], $0x2000  }
0xe7: {  	[sflag:s22] =	ssyncset.done $0x0  }
0xe8: {  	s8 =	sadd.s32 $0xFFFFFFFF, s8;
	[sflag:s22] =	ssyncadd.s32 $0xFFFFE000  }
0xe9: {  	_ =	sfence.sel $0x180000  }
0xea: {  	[bflag:$0x0] =	sbarrier.arrive $0xFFFF  }
0xeb: {  	_ =	strace $0x90000047  }
0xec: {  	s0 =	stileid.u32;
	[bflag:$0x2] =	sbarrier.arrive $0xFFFF  }
0xed: {  	p0 =	sne.s32 s0, $0x0;
	s0 =	rddreg [dreg:$0x2]  }
0xee: {  	s0 =	sadd.s32 @!p0 $0x100000, s0  }
0xef: {  	[sflag:s0] =	ssyncadd.tile.s32 @!p0 $0x1;
	_ =	shalt  }
.Lfunc_end2:
_tile_overlayer_lowered:
.L_overlay_start_2:
0xf0: {  	(tag) =	ssettag $0x2  }
0xf1: {  	s0 =	rddreg [dreg:$0x0];
	s2 =	stileid.u32  }
0xf2: {  	s1 =	rddreg [dreg:$0x1];
	p0 =	sne.s32 s2, $0x0  }
0xf3: {  	s3 =	rddreg [dreg:$0x2];
	[bflag:$0x3] =	sbarrier.arrive $0xFFFF;
	s2 =	simm.s32 @!p0 $0x1C02  }
0xf4: {  	[timem:s3], [sflag:s2] =	dma.local @!p0 [hbm:s0], s1  }
0xf5: {  	s0 =	simm.s32 @!p0 $0x2  }
0xf6: {  	_ =	swait.ge @!p0 [sflag:s0], s1  }
0xf7: {  	s1 =	ssub.s32 @!p0 $0x0, s1;
	[sflag:s0] =	ssyncset.done @!p0 $0x0  }
0xf8: {  	[sflag:s0] =	ssyncadd.s32 @!p0 s1  }
0xf9: {  	[bflag:$0x3] =	sbarrier.arrive $0xFFFF  }
0xfa: {  	_ =	shalt  }

</sc_bundles>
